<compile_context>
chip_gen: v7x
topology: tpu7x:2x2x1
jax: 0.10.2.dev20260603
libtpu: 0.0.44.dev20260713+nightly
codegen_flags: <defaults>
</compile_context>

<pallas_src>
import jax
import jax.numpy as jnp
from jax import lax
from jax.experimental import pallas as pl
from jax.experimental.pallas import tpu as pltpu
from jax.experimental.pallas import tpu_sc as plsc

N_ELEM = 85
ZP = 96
N_TAG = 3
HIDDEN = 384
N_NODE = 10000

NC = 2
NS = 16
NW = NC * NS
BIG = 320
SMALL = 304
BIG_W = 17
GCHUNK = 80

E_TILE = 16000
NUM_FILT_H = 64


def _table_body(emb_ref, phys_ref, pp_ref, pg_ref, per_ref, grp_ref, tagt_ref,
                wlin_ref, blin_ref, out_ref):
    w1 = wlin_ref[0:272, :]
    w2 = wlin_ref[272:304, :]
    w3 = wlin_ref[304:320, :]
    w4 = wlin_ref[320:352, :]
    w5 = wlin_ref[352:384, :]
    f32 = jnp.float32
    pw = jnp.dot(per_ref[...], w4, preferred_element_type=f32)
    gw = jnp.dot(grp_ref[...], w5, preferred_element_type=f32)
    oh_p = (pp_ref[...] == lax.broadcasted_iota(jnp.int32, (N_ELEM, 8), 1)).astype(f32)
    oh_g = (pg_ref[...] == lax.broadcasted_iota(jnp.int32, (N_ELEM, 19), 1)).astype(f32)
    u = (jnp.dot(emb_ref[...], w1, preferred_element_type=f32)
         + jnp.dot(phys_ref[...], w3, preferred_element_type=f32)
         + jnp.dot(oh_p, pw, preferred_element_type=f32)
         + jnp.dot(oh_g, gw, preferred_element_type=f32)
         + blin_ref[...].reshape(1, HIDDEN))
    v = jnp.dot(tagt_ref[...], w2, preferred_element_type=f32)
    for t in range(N_TAG):
        x = u + v[t:t + 1, :]
        out_ref[t * ZP:t * ZP + N_ELEM, :] = x / (1.0 + jnp.exp(-x))


def _build_table(emb_table, phys_properties, pp_col, pg_col, period_table,
                 group_table, tag_table, w_lin, b_lin):
    return pl.pallas_call(
        _table_body,
        out_shape=jax.ShapeDtypeStruct((N_TAG * ZP, HIDDEN), jnp.float32),
    )(emb_table, phys_properties, pp_col, pg_col, period_table, group_table,
      tag_table, w_lin, b_lin)


def _sc_body(table_hbm, z_hbm, tag_hbm, out_hbm, z_v, tag_v, idx_v, rows_v, sem):
    wid = lax.axis_index("s") * NC + lax.axis_index("c")
    is_big = wid < BIG_W
    base = wid * SMALL + 16 * jnp.minimum(wid, BIG_W)

    @pl.when(is_big)
    def _():
        pltpu.sync_copy(z_hbm.at[pl.ds(base, BIG)], z_v)
        pltpu.sync_copy(tag_hbm.at[pl.ds(base, BIG)], tag_v)

    @pl.when(jnp.logical_not(is_big))
    def _():
        pltpu.sync_copy(z_hbm.at[pl.ds(base, SMALL)], z_v.at[pl.ds(0, SMALL)])
        pltpu.sync_copy(tag_hbm.at[pl.ds(base, SMALL)],
                        tag_v.at[pl.ds(0, SMALL)])

    for j in range(BIG // GCHUNK):
        for r in range(GCHUNK // 16):
            off = j * GCHUNK + r * 16
            zc = z_v[pl.ds(off, 16)]
            tc = tag_v[pl.ds(off, 16)]
            idx_v[j, pl.ds(r * 16, 16)] = tc * ZP + zc
    copies = []
    for j in range(3):
        copies.append(
            pltpu.async_copy(table_hbm.at[idx_v.at[j]],
                             rows_v.at[pl.ds(j * GCHUNK, GCHUNK)], sem))
    for c in copies:
        c.wait()

    @pl.when(is_big)
    def _():
        pltpu.async_copy(table_hbm.at[idx_v.at[3]],
                         rows_v.at[pl.ds(3 * GCHUNK, GCHUNK)], sem).wait()
        pltpu.sync_copy(rows_v, out_hbm.at[pl.ds(base, BIG)])

    @pl.when(jnp.logical_not(is_big))
    def _():
        pltpu.async_copy(table_hbm.at[idx_v.at[3, pl.ds(0, SMALL - 3 * GCHUNK)]],
                         rows_v.at[pl.ds(3 * GCHUNK, SMALL - 3 * GCHUNK)],
                         sem).wait()
        pltpu.sync_copy(rows_v.at[pl.ds(0, SMALL)],
                        out_hbm.at[pl.ds(base, SMALL)])


def _gather_nodes(table, z, tag):
    mesh = plsc.VectorSubcoreMesh(core_axis_name="c", subcore_axis_name="s")
    fn = pl.kernel(
        _sc_body,
        out_type=jax.ShapeDtypeStruct((N_NODE, HIDDEN), jnp.float32),
        mesh=mesh,
        scratch_types=[
            pltpu.VMEM((BIG,), jnp.int32),
            pltpu.VMEM((BIG,), jnp.int32),
            pltpu.VMEM((BIG // GCHUNK, GCHUNK), jnp.int32),
            pltpu.VMEM((BIG, HIDDEN), jnp.float32),
            pltpu.SemaphoreType.DMA,
        ],
    )
    return fn(table, z, tag)


def _edge_body(rpT_ref, eaT_ref, we1_ref, be1_ref, we12_ref, be12_ref,
               out_ref):
    dn = (((0,), (0,)), ((), ()))
    a = lax.dot_general(rpT_ref[...], we1_ref[...], dn,
                        preferred_element_type=jnp.float32) + be1_ref[...]
    b = lax.dot_general(eaT_ref[...], we12_ref[...], dn,
                        preferred_element_type=jnp.float32) + be12_ref[...]
    out_ref[:, 0:NUM_FILT_H] = a / (1.0 + jnp.exp(-a))
    out_ref[:, NUM_FILT_H:2 * NUM_FILT_H] = b / (1.0 + jnp.exp(-b))


def _edge_branch(rel_pos, edge_attr, w_e1, b_e1, w_e12, b_e12):
    e_rows = rel_pos.shape[0]
    grid = (e_rows // E_TILE,)
    ng = edge_attr.shape[1]
    rpT = rel_pos.T
    eaT = edge_attr.T
    return pl.pallas_call(
        _edge_body,
        grid=grid,
        in_specs=[
            pl.BlockSpec((3, E_TILE), lambda i: (0, i)),
            pl.BlockSpec((ng, E_TILE), lambda i: (0, i)),
            pl.BlockSpec((3, NUM_FILT_H), lambda i: (0, 0)),
            pl.BlockSpec((1, NUM_FILT_H), lambda i: (0, 0)),
            pl.BlockSpec((ng, NUM_FILT_H), lambda i: (0, 0)),
            pl.BlockSpec((1, NUM_FILT_H), lambda i: (0, 0)),
        ],
        out_specs=pl.BlockSpec((E_TILE, 2 * NUM_FILT_H), lambda i: (i, 0)),
        out_shape=jax.ShapeDtypeStruct((e_rows, 2 * NUM_FILT_H), jnp.float32),
    )(rpT, eaT, w_e1, b_e1.reshape(1, NUM_FILT_H),
      w_e12, b_e12.reshape(1, NUM_FILT_H))


def kernel(z, rel_pos, edge_attr, tag, emb_table, tag_table, period_table,
           group_table, phys_properties, phys_period, phys_group,
           W_lin, b_lin, W_e1, b_e1, W_e12, b_e12):
    table = _build_table(emb_table, phys_properties,
                         phys_period.reshape(N_ELEM, 1),
                         phys_group.reshape(N_ELEM, 1),
                         period_table, group_table,
                         tag_table, W_lin, b_lin)

    h = _gather_nodes(table, z, tag)

    e = _edge_branch(rel_pos, edge_attr, W_e1, b_e1, W_e12, b_e12)
    return (h, e)

# --- scband reference (transcript-rebuilt; emitter-appended) ---
"""Pipeline reference for scband-embedding-block-9887014715651 (READ-ONLY COPY).

The authoritative reference and input builder live on the scoring server;
editing this copy changes nothing except your own understanding.
"""

import jax, jax.numpy as jnp
import numpy as np

HIDDEN = 384
TAG_H = 32
PG_H = 32
PHYS_H = 16  # n_properties of PhysEmbedding
NUM_GAUSS = 50
NUM_FILT = 128
N_ELEM = 85
PERIOD_SIZE = 8
GROUP_SIZE = 19
EMB_DIM = HIDDEN - TAG_H - PHYS_H - 2 * PG_H  # 272


def setup_inputs(seed: int = 0) -> dict:
    key = jax.random.key(seed)
    ks = [jax.random.fold_in(key, i) for i in range(20)]
    N = 10000
    E = 320000
    inp = {}
    inp['z'] = jax.random.randint(ks[0], (N,), 0, N_ELEM, dtype=jnp.int32)
    inp['rel_pos'] = jax.random.normal(ks[1], (E, 3), dtype=jnp.float32)
    inp['edge_attr'] = jax.random.uniform(ks[2], (E, NUM_GAUSS), dtype=jnp.float32)
    inp['tag'] = jax.random.randint(ks[3], (N,), 0, 3, dtype=jnp.int32)
    # learned parameters
    inp['emb_table'] = jax.random.normal(ks[4], (N_ELEM, EMB_DIM), dtype=jnp.float32)
    inp['tag_table'] = jax.random.normal(ks[5], (3, TAG_H), dtype=jnp.float32)
    inp['period_table'] = jax.random.normal(ks[6], (PERIOD_SIZE, PG_H), dtype=jnp.float32)
    inp['group_table'] = jax.random.normal(ks[7], (GROUP_SIZE, PG_H), dtype=jnp.float32)
    # fixed physical property buffers (PhysEmbedding)
    inp['phys_properties'] = jax.random.normal(ks[8], (N_ELEM, PHYS_H), dtype=jnp.float32)
    inp['phys_period'] = jax.random.randint(ks[9], (N_ELEM,), 0, PERIOD_SIZE, dtype=jnp.int32)
    inp['phys_group'] = jax.random.randint(ks[10], (N_ELEM,), 0, GROUP_SIZE, dtype=jnp.int32)
    # linear layers (stored as [in, out])
    inp['W_lin'] = jax.random.normal(ks[11], (HIDDEN, HIDDEN), dtype=jnp.float32) * (1.0 / np.sqrt(HIDDEN))
    inp['b_lin'] = jnp.zeros((HIDDEN,), dtype=jnp.float32)
    inp['W_e1'] = jax.random.normal(ks[12], (3, NUM_FILT // 2), dtype=jnp.float32) * (1.0 / np.sqrt(3))
    inp['b_e1'] = jnp.zeros((NUM_FILT // 2,), dtype=jnp.float32)
    inp['W_e12'] = jax.random.normal(ks[13], (NUM_GAUSS, NUM_FILT - NUM_FILT // 2), dtype=jnp.float32) * (1.0 / np.sqrt(NUM_GAUSS))
    inp['b_e12'] = jnp.zeros((NUM_FILT - NUM_FILT // 2,), dtype=jnp.float32)
    return inp


def swish(x):
    return x * jax.nn.sigmoid(x)


def reference(z, rel_pos, edge_attr, tag, emb_table, tag_table, period_table, group_table, phys_properties, phys_period, phys_group, W_lin, b_lin, W_e1, b_e1, W_e12, b_e12):
    # edge branch
    rp = rel_pos @ W_e1 + b_e1
    ea = edge_attr @ W_e12 + b_e12
    e = jnp.concatenate([rp, ea], axis=1)
    e = swish(e)
    # node branch: embedding lookups + concat
    h = jnp.take(emb_table, z, axis=0)
    h_tag = jnp.take(tag_table, tag, axis=0)
    h = jnp.concatenate([h, h_tag], axis=1)
    h_phys = jnp.take(phys_properties, z, axis=0)
    h = jnp.concatenate([h, h_phys], axis=1)
    h_period = jnp.take(period_table, jnp.take(phys_period, z, axis=0), axis=0)
    h_group = jnp.take(group_table, jnp.take(phys_group, z, axis=0), axis=0)
    h = jnp.concatenate([h, h_period, h_group], axis=1)
    h = swish(h @ W_lin + b_lin)
    return (h, e)

if __name__ == "__main__":
    import jax
    _d = setup_inputs()
    print(jax.jit(kernel)(*tuple(_d.values())))

</pallas_src>

<mosaic_0001>
#map = affine_map<(d0, d1) -> (0, 0)>
#map1 = affine_map<(d0, d1) -> (0)>
module attributes {stable_mosaic.version = 14 : i64} {
  func.func @_sc_body(%arg0: i32, %arg1: i32, %arg2: memref<288x384xf32, #tpu.memory_space<hbm>>, %arg3: memref<10000xi32, #tpu.memory_space<hbm>>, %arg4: memref<10000xi32, #tpu.memory_space<hbm>>, %arg5: memref<10000x384xf32, #tpu.memory_space<hbm>>, %arg6: memref<320xi32, #tpu.memory_space<vmem>>, %arg7: memref<320xi32, #tpu.memory_space<vmem>>, %arg8: memref<4x80xi32, #tpu.memory_space<vmem>>, %arg9: memref<320x384xf32, #tpu.memory_space<vmem>>, %arg10: memref<!tpu.dma_semaphore, #tpu.memory_space<semaphore_mem>>) attributes {dimension_semantics = [#tpu.dimension_semantics<core_parallel>, #tpu.dimension_semantics<subcore_parallel>], iteration_bounds = array<i64: 2, 16>, scalar_prefetch = 0 : i64, scratch_operands = 5 : i64, tpu.core_type = #tpu.core_type<sc_vector_subcore>, window_params = [{transform_indices = #map}, {transform_indices = #map1}, {transform_indices = #map1}, {transform_indices = #map}]} {
    %mul3A = arith.constant 2 : i32
    %mul3A_0 = arith.muli %arg1, %mul3A : i32
    %add3A = arith.addi %mul3A_0, %arg0 : i32
    %lt3A = arith.constant 17 : i32
    %lt3A_1 = arith.cmpi slt, %add3A, %lt3A : i32
    %mul3A_2 = arith.constant 304 : i32
    %mul3A_3 = arith.muli %add3A, %mul3A_2 : i32
    %min3A = arith.constant 17 : i32
    %min3A_4 = arith.minsi %add3A, %min3A : i32
    %mul3A_5 = arith.constant 16 : i32
    %mul3A_6 = arith.muli %mul3A_5, %min3A_4 : i32
    %add3A_7 = arith.addi %mul3A_3, %mul3A_6 : i32
    %convert_element_type3A = arith.extui %lt3A_1 : i1 to i32
    %cond3A = arith.constant 0 : i32
    %cond3A_8 = arith.cmpi ne, %convert_element_type3A, %cond3A : i32
    scf.if %cond3A_8 {
      "tpu.region"() ({
        %run_scoped3A = tpu.sem_alloc : memref<!tpu.dma_semaphore, #tpu.memory_space<semaphore_mem>>
        %dma_start3A_397 = tpu.memref_slice %arg3[%add3A_7] : memref<10000xi32, #tpu.memory_space<hbm>> -> memref<320xi32, #tpu.memory_space<hbm>>
        %dma_start3A_398 = tpu.memref_slice %arg3[%add3A_7] : memref<10000xi32, #tpu.memory_space<hbm>> -> memref<320xi32, #tpu.memory_space<hbm>>
        tpu.enqueue_dma source(%dma_start3A_398 : memref<320xi32, #tpu.memory_space<hbm>>) target(%arg6 : memref<320xi32, #tpu.memory_space<vmem>>) target_semaphore(%run_scoped3A : memref<!tpu.dma_semaphore, #tpu.memory_space<semaphore_mem>>)
        %dma_wait3A_399 = tpu.memref_slice %arg3[%add3A_7] : memref<10000xi32, #tpu.memory_space<hbm>> -> memref<320xi32, #tpu.memory_space<hbm>>
        %dma_wait3A_400 = tpu.memref_slice %arg3[%add3A_7] : memref<10000xi32, #tpu.memory_space<hbm>> -> memref<320xi32, #tpu.memory_space<hbm>>
        tpu.wait_dma2 semaphore(%run_scoped3A : memref<!tpu.dma_semaphore, #tpu.memory_space<semaphore_mem>>) src(%dma_wait3A_400 : memref<320xi32, #tpu.memory_space<hbm>>) dst(%arg6 : memref<320xi32, #tpu.memory_space<vmem>>)
        tpu.yield
      }) : () -> ()
      "tpu.region"() ({
        %run_scoped3A = tpu.sem_alloc : memref<!tpu.dma_semaphore, #tpu.memory_space<semaphore_mem>>
        %dma_start3A_397 = tpu.memref_slice %arg4[%add3A_7] : memref<10000xi32, #tpu.memory_space<hbm>> -> memref<320xi32, #tpu.memory_space<hbm>>
        %dma_start3A_398 = tpu.memref_slice %arg4[%add3A_7] : memref<10000xi32, #tpu.memory_space<hbm>> -> memref<320xi32, #tpu.memory_space<hbm>>
        tpu.enqueue_dma source(%dma_start3A_398 : memref<320xi32, #tpu.memory_space<hbm>>) target(%arg7 : memref<320xi32, #tpu.memory_space<vmem>>) target_semaphore(%run_scoped3A : memref<!tpu.dma_semaphore, #tpu.memory_space<semaphore_mem>>)
        %dma_wait3A_399 = tpu.memref_slice %arg4[%add3A_7] : memref<10000xi32, #tpu.memory_space<hbm>> -> memref<320xi32, #tpu.memory_space<hbm>>
        %dma_wait3A_400 = tpu.memref_slice %arg4[%add3A_7] : memref<10000xi32, #tpu.memory_space<hbm>> -> memref<320xi32, #tpu.memory_space<hbm>>
        tpu.wait_dma2 semaphore(%run_scoped3A : memref<!tpu.dma_semaphore, #tpu.memory_space<semaphore_mem>>) src(%dma_wait3A_400 : memref<320xi32, #tpu.memory_space<hbm>>) dst(%arg7 : memref<320xi32, #tpu.memory_space<vmem>>)
        tpu.yield
      }) : () -> ()
    } else {
    }
    %not3A = arith.constant true
    %not3A_9 = arith.xori %lt3A_1, %not3A : i1
    %convert_element_type3A_10 = arith.extui %not3A_9 : i1 to i32
    %cond3A_11 = arith.constant 0 : i32
    %cond3A_12 = arith.cmpi ne, %convert_element_type3A_10, %cond3A_11 : i32
    scf.if %cond3A_12 {
      "tpu.region"() ({
        %run_scoped3A = tpu.sem_alloc : memref<!tpu.dma_semaphore, #tpu.memory_space<semaphore_mem>>
        %dma_start3A_397 = arith.constant 0 : i32
        %dma_start3A_398 = tpu.memref_slice %arg6[%dma_start3A_397] : memref<320xi32, #tpu.memory_space<vmem>> -> memref<304xi32, #tpu.memory_space<vmem>>
        %dma_start3A_399 = tpu.memref_slice %arg3[%add3A_7] : memref<10000xi32, #tpu.memory_space<hbm>> -> memref<304xi32, #tpu.memory_space<hbm>>
        %dma_start3A_400 = arith.constant 0 : i32
        %dma_start3A_401 = tpu.memref_slice %arg6[%dma_start3A_400] : memref<320xi32, #tpu.memory_space<vmem>> -> memref<304xi32, #tpu.memory_space<vmem>>
        %dma_start3A_402 = tpu.memref_slice %arg3[%add3A_7] : memref<10000xi32, #tpu.memory_space<hbm>> -> memref<304xi32, #tpu.memory_space<hbm>>
        tpu.enqueue_dma source(%dma_start3A_402 : memref<304xi32, #tpu.memory_space<hbm>>) target(%dma_start3A_401 : memref<304xi32, #tpu.memory_space<vmem>>) target_semaphore(%run_scoped3A : memref<!tpu.dma_semaphore, #tpu.memory_space<semaphore_mem>>)
        %dma_wait3A_403 = arith.constant 0 : i32
        %dma_wait3A_404 = tpu.memref_slice %arg6[%dma_wait3A_403] : memref<320xi32, #tpu.memory_space<vmem>> -> memref<304xi32, #tpu.memory_space<vmem>>
        %dma_wait3A_405 = tpu.memref_slice %arg3[%add3A_7] : memref<10000xi32, #tpu.memory_space<hbm>> -> memref<304xi32, #tpu.memory_space<hbm>>
        %dma_wait3A_406 = arith.constant 0 : i32
        %dma_wait3A_407 = tpu.memref_slice %arg6[%dma_wait3A_406] : memref<320xi32, #tpu.memory_space<vmem>> -> memref<304xi32, #tpu.memory_space<vmem>>
        %dma_wait3A_408 = tpu.memref_slice %arg3[%add3A_7] : memref<10000xi32, #tpu.memory_space<hbm>> -> memref<304xi32, #tpu.memory_space<hbm>>
        tpu.wait_dma2 semaphore(%run_scoped3A : memref<!tpu.dma_semaphore, #tpu.memory_space<semaphore_mem>>) src(%dma_wait3A_408 : memref<304xi32, #tpu.memory_space<hbm>>) dst(%dma_wait3A_407 : memref<304xi32, #tpu.memory_space<vmem>>)
        tpu.yield
      }) : () -> ()
      "tpu.region"() ({
        %run_scoped3A = tpu.sem_alloc : memref<!tpu.dma_semaphore, #tpu.memory_space<semaphore_mem>>
        %dma_start3A_397 = arith.constant 0 : i32
        %dma_start3A_398 = tpu.memref_slice %arg7[%dma_start3A_397] : memref<320xi32, #tpu.memory_space<vmem>> -> memref<304xi32, #tpu.memory_space<vmem>>
        %dma_start3A_399 = tpu.memref_slice %arg4[%add3A_7] : memref<10000xi32, #tpu.memory_space<hbm>> -> memref<304xi32, #tpu.memory_space<hbm>>
        %dma_start3A_400 = arith.constant 0 : i32
        %dma_start3A_401 = tpu.memref_slice %arg7[%dma_start3A_400] : memref<320xi32, #tpu.memory_space<vmem>> -> memref<304xi32, #tpu.memory_space<vmem>>
        %dma_start3A_402 = tpu.memref_slice %arg4[%add3A_7] : memref<10000xi32, #tpu.memory_space<hbm>> -> memref<304xi32, #tpu.memory_space<hbm>>
        tpu.enqueue_dma source(%dma_start3A_402 : memref<304xi32, #tpu.memory_space<hbm>>) target(%dma_start3A_401 : memref<304xi32, #tpu.memory_space<vmem>>) target_semaphore(%run_scoped3A : memref<!tpu.dma_semaphore, #tpu.memory_space<semaphore_mem>>)
        %dma_wait3A_403 = arith.constant 0 : i32
        %dma_wait3A_404 = tpu.memref_slice %arg7[%dma_wait3A_403] : memref<320xi32, #tpu.memory_space<vmem>> -> memref<304xi32, #tpu.memory_space<vmem>>
        %dma_wait3A_405 = tpu.memref_slice %arg4[%add3A_7] : memref<10000xi32, #tpu.memory_space<hbm>> -> memref<304xi32, #tpu.memory_space<hbm>>
        %dma_wait3A_406 = arith.constant 0 : i32
        %dma_wait3A_407 = tpu.memref_slice %arg7[%dma_wait3A_406] : memref<320xi32, #tpu.memory_space<vmem>> -> memref<304xi32, #tpu.memory_space<vmem>>
        %dma_wait3A_408 = tpu.memref_slice %arg4[%add3A_7] : memref<10000xi32, #tpu.memory_space<hbm>> -> memref<304xi32, #tpu.memory_space<hbm>>
        tpu.wait_dma2 semaphore(%run_scoped3A : memref<!tpu.dma_semaphore, #tpu.memory_space<semaphore_mem>>) src(%dma_wait3A_408 : memref<304xi32, #tpu.memory_space<hbm>>) dst(%dma_wait3A_407 : memref<304xi32, #tpu.memory_space<vmem>>)
        tpu.yield
      }) : () -> ()
    } else {
    }
    %get3A = arith.constant 0 : index
    %get3A_13 = tpu.vector_load %arg6[%get3A] {strides = array<i32>} : memref<320xi32, #tpu.memory_space<vmem>>, vector<16xi32>,
    %get3A_14 = vector.shape_cast %get3A_13 : vector<16xi32> to vector<16xi32>
    %get3A_15 = arith.constant 0 : index
    %get3A_16 = tpu.vector_load %arg7[%get3A_15] {strides = array<i32>} : memref<320xi32, #tpu.memory_space<vmem>>, vector<16xi32>,
    %get3A_17 = vector.shape_cast %get3A_16 : vector<16xi32> to vector<16xi32>
    %mul3A_18 = arith.constant 96 : i32
    %mul3A_19 = vector.broadcast %mul3A_18 : i32 to vector<16xi32>
    %mul3A_20 = arith.muli %get3A_17, %mul3A_19 : vector<16xi32>
    %add3A_21 = arith.addi %mul3A_20, %get3A_14 : vector<16xi32>
    %swap3A = arith.constant 0 : i32
    %swap3A_22 = arith.index_cast %swap3A : i32 to index
    %swap3A_23 = arith.constant 0 : index
    %swap3A_24 = tpu.vector_load %arg8[%swap3A_22, %swap3A_23] {strides = array<i32>} : memref<4x80xi32, #tpu.memory_space<vmem>>, vector<1x16xi32>,
    %swap3A_25 = vector.shape_cast %swap3A_24 : vector<1x16xi32> to vector<16xi32>
    %swap3A_26 = vector.shape_cast %add3A_21 : vector<16xi32> to vector<1x16xi32>
    tpu.vector_store %arg8[%swap3A_22, %swap3A_23], %swap3A_26 {strides = array<i32>} : memref<4x80xi32, #tpu.memory_space<vmem>>, vector<1x16xi32>,
    %get3A_27 = arith.constant 16 : index
    %get3A_28 = tpu.vector_load %arg6[%get3A_27] {strides = array<i32>} : memref<320xi32, #tpu.memory_space<vmem>>, vector<16xi32>,
    %get3A_29 = vector.shape_cast %get3A_28 : vector<16xi32> to vector<16xi32>
    %get3A_30 = arith.constant 16 : index
    %get3A_31 = tpu.vector_load %arg7[%get3A_30] {strides = array<i32>} : memref<320xi32, #tpu.memory_space<vmem>>, vector<16xi32>,
    %get3A_32 = vector.shape_cast %get3A_31 : vector<16xi32> to vector<16xi32>
    %mul3A_33 = arith.constant 96 : i32
    %mul3A_34 = vector.broadcast %mul3A_33 : i32 to vector<16xi32>
    %mul3A_35 = arith.muli %get3A_32, %mul3A_34 : vector<16xi32>
    %add3A_36 = arith.addi %mul3A_35, %get3A_29 : vector<16xi32>
    %swap3A_37 = arith.constant 0 : i32
    %swap3A_38 = arith.index_cast %swap3A_37 : i32 to index
    %swap3A_39 = arith.constant 16 : index
    %swap3A_40 = tpu.vector_load %arg8[%swap3A_38, %swap3A_39] {strides = array<i32>} : memref<4x80xi32, #tpu.memory_space<vmem>>, vector<1x16xi32>,
    %swap3A_41 = vector.shape_cast %swap3A_40 : vector<1x16xi32> to vector<16xi32>
    %swap3A_42 = vector.shape_cast %add3A_36 : vector<16xi32> to vector<1x16xi32>
    tpu.vector_store %arg8[%swap3A_38, %swap3A_39], %swap3A_42 {strides = array<i32>} : memref<4x80xi32, #tpu.memory_space<vmem>>, vector<1x16xi32>,
    %get3A_43 = arith.constant 32 : index
    %get3A_44 = tpu.vector_load %arg6[%get3A_43] {strides = array<i32>} : memref<320xi32, #tpu.memory_space<vmem>>, vector<16xi32>,
    %get3A_45 = vector.shape_cast %get3A_44 : vector<16xi32> to vector<16xi32>
    %get3A_46 = arith.constant 32 : index
    %get3A_47 = tpu.vector_load %arg7[%get3A_46] {strides = array<i32>} : memref<320xi32, #tpu.memory_space<vmem>>, vector<16xi32>,
    %get3A_48 = vector.shape_cast %get3A_47 : vector<16xi32> to vector<16xi32>
    %mul3A_49 = arith.constant 96 : i32
    %mul3A_50 = vector.broadcast %mul3A_49 : i32 to vector<16xi32>
    %mul3A_51 = arith.muli %get3A_48, %mul3A_50 : vector<16xi32>
    %add3A_52 = arith.addi %mul3A_51, %get3A_45 : vector<16xi32>
    %swap3A_53 = arith.constant 0 : i32
    %swap3A_54 = arith.index_cast %swap3A_53 : i32 to index
    %swap3A_55 = arith.constant 32 : index
    %swap3A_56 = tpu.vector_load %arg8[%swap3A_54, %swap3A_55] {strides = array<i32>} : memref<4x80xi32, #tpu.memory_space<vmem>>, vector<1x16xi32>,
    %swap3A_57 = vector.shape_cast %swap3A_56 : vector<1x16xi32> to vector<16xi32>
    %swap3A_58 = vector.shape_cast %add3A_52 : vector<16xi32> to vector<1x16xi32>
    tpu.vector_store %arg8[%swap3A_54, %swap3A_55], %swap3A_58 {strides = array<i32>} : memref<4x80xi32, #tpu.memory_space<vmem>>, vector<1x16xi32>,
    %get3A_59 = arith.constant 48 : index
    %get3A_60 = tpu.vector_load %arg6[%get3A_59] {strides = array<i32>} : memref<320xi32, #tpu.memory_space<vmem>>, vector<16xi32>,
    %get3A_61 = vector.shape_cast %get3A_60 : vector<16xi32> to vector<16xi32>
    %get3A_62 = arith.constant 48 : index
    %get3A_63 = tpu.vector_load %arg7[%get3A_62] {strides = array<i32>} : memref<320xi32, #tpu.memory_space<vmem>>, vector<16xi32>,
    %get3A_64 = vector.shape_cast %get3A_63 : vector<16xi32> to vector<16xi32>
    %mul3A_65 = arith.constant 96 : i32
    %mul3A_66 = vector.broadcast %mul3A_65 : i32 to vector<16xi32>
    %mul3A_67 = arith.muli %get3A_64, %mul3A_66 : vector<16xi32>
    %add3A_68 = arith.addi %mul3A_67, %get3A_61 : vector<16xi32>
    %swap3A_69 = arith.constant 0 : i32
    %swap3A_70 = arith.index_cast %swap3A_69 : i32 to index
    %swap3A_71 = arith.constant 48 : index
    %swap3A_72 = tpu.vector_load %arg8[%swap3A_70, %swap3A_71] {strides = array<i32>} : memref<4x80xi32, #tpu.memory_space<vmem>>, vector<1x16xi32>,
    %swap3A_73 = vector.shape_cast %swap3A_72 : vector<1x16xi32> to vector<16xi32>
    %swap3A_74 = vector.shape_cast %add3A_68 : vector<16xi32> to vector<1x16xi32>
    tpu.vector_store %arg8[%swap3A_70, %swap3A_71], %swap3A_74 {strides = array<i32>} : memref<4x80xi32, #tpu.memory_space<vmem>>, vector<1x16xi32>,
    %get3A_75 = arith.constant 64 : index
    %get3A_76 = tpu.vector_load %arg6[%get3A_75] {strides = array<i32>} : memref<320xi32, #tpu.memory_space<vmem>>, vector<16xi32>,
    %get3A_77 = vector.shape_cast %get3A_76 : vector<16xi32> to vector<16xi32>
    %get3A_78 = arith.constant 64 : index
    %get3A_79 = tpu.vector_load %arg7[%get3A_78] {strides = array<i32>} : memref<320xi32, #tpu.memory_space<vmem>>, vector<16xi32>,
    %get3A_80 = vector.shape_cast %get3A_79 : vector<16xi32> to vector<16xi32>
    %mul3A_81 = arith.constant 96 : i32
    %mul3A_82 = vector.broadcast %mul3A_81 : i32 to vector<16xi32>
    %mul3A_83 = arith.muli %get3A_80, %mul3A_82 : vector<16xi32>
    %add3A_84 = arith.addi %mul3A_83, %get3A_77 : vector<16xi32>
    %swap3A_85 = arith.constant 0 : i32
    %swap3A_86 = arith.index_cast %swap3A_85 : i32 to index
    %swap3A_87 = arith.constant 64 : index
    %swap3A_88 = tpu.vector_load %arg8[%swap3A_86, %swap3A_87] {strides = array<i32>} : memref<4x80xi32, #tpu.memory_space<vmem>>, vector<1x16xi32>,
    %swap3A_89 = vector.shape_cast %swap3A_88 : vector<1x16xi32> to vector<16xi32>
    %swap3A_90 = vector.shape_cast %add3A_84 : vector<16xi32> to vector<1x16xi32>
    tpu.vector_store %arg8[%swap3A_86, %swap3A_87], %swap3A_90 {strides = array<i32>} : memref<4x80xi32, #tpu.memory_space<vmem>>, vector<1x16xi32>,
    %get3A_91 = arith.constant 80 : index
    %get3A_92 = tpu.vector_load %arg6[%get3A_91] {strides = array<i32>} : memref<320xi32, #tpu.memory_space<vmem>>, vector<16xi32>,
    %get3A_93 = vector.shape_cast %get3A_92 : vector<16xi32> to vector<16xi32>
    %get3A_94 = arith.constant 80 : index
    %get3A_95 = tpu.vector_load %arg7[%get3A_94] {strides = array<i32>} : memref<320xi32, #tpu.memory_space<vmem>>, vector<16xi32>,
    %get3A_96 = vector.shape_cast %get3A_95 : vector<16xi32> to vector<16xi32>
    %mul3A_97 = arith.constant 96 : i32
    %mul3A_98 = vector.broadcast %mul3A_97 : i32 to vector<16xi32>
    %mul3A_99 = arith.muli %get3A_96, %mul3A_98 : vector<16xi32>
    %add3A_100 = arith.addi %mul3A_99, %get3A_93 : vector<16xi32>
    %swap3A_101 = arith.constant 1 : i32
    %swap3A_102 = arith.index_cast %swap3A_101 : i32 to index
    %swap3A_103 = arith.constant 0 : index
    %swap3A_104 = tpu.vector_load %arg8[%swap3A_102, %swap3A_103] {strides = array<i32>} : memref<4x80xi32, #tpu.memory_space<vmem>>, vector<1x16xi32>,
    %swap3A_105 = vector.shape_cast %swap3A_104 : vector<1x16xi32> to vector<16xi32>
    %swap3A_106 = vector.shape_cast %add3A_100 : vector<16xi32> to vector<1x16xi32>
    tpu.vector_store %arg8[%swap3A_102, %swap3A_103], %swap3A_106 {strides = array<i32>} : memref<4x80xi32, #tpu.memory_space<vmem>>, vector<1x16xi32>,
    %get3A_107 = arith.constant 96 : index
    %get3A_108 = tpu.vector_load %arg6[%get3A_107] {strides = array<i32>} : memref<320xi32, #tpu.memory_space<vmem>>, vector<16xi32>,
    %get3A_109 = vector.shape_cast %get3A_108 : vector<16xi32> to vector<16xi32>
    %get3A_110 = arith.constant 96 : index
    %get3A_111 = tpu.vector_load %arg7[%get3A_110] {strides = array<i32>} : memref<320xi32, #tpu.memory_space<vmem>>, vector<16xi32>,
    %get3A_112 = vector.shape_cast %get3A_111 : vector<16xi32> to vector<16xi32>
    %mul3A_113 = arith.constant 96 : i32
    %mul3A_114 = vector.broadcast %mul3A_113 : i32 to vector<16xi32>
    %mul3A_115 = arith.muli %get3A_112, %mul3A_114 : vector<16xi32>
    %add3A_116 = arith.addi %mul3A_115, %get3A_109 : vector<16xi32>
    %swap3A_117 = arith.constant 1 : i32
    %swap3A_118 = arith.index_cast %swap3A_117 : i32 to index
    %swap3A_119 = arith.constant 16 : index
    %swap3A_120 = tpu.vector_load %arg8[%swap3A_118, %swap3A_119] {strides = array<i32>} : memref<4x80xi32, #tpu.memory_space<vmem>>, vector<1x16xi32>,
    %swap3A_121 = vector.shape_cast %swap3A_120 : vector<1x16xi32> to vector<16xi32>
    %swap3A_122 = vector.shape_cast %add3A_116 : vector<16xi32> to vector<1x16xi32>
    tpu.vector_store %arg8[%swap3A_118, %swap3A_119], %swap3A_122 {strides = array<i32>} : memref<4x80xi32, #tpu.memory_space<vmem>>, vector<1x16xi32>,
    %get3A_123 = arith.constant 112 : index
    %get3A_124 = tpu.vector_load %arg6[%get3A_123] {strides = array<i32>} : memref<320xi32, #tpu.memory_space<vmem>>, vector<16xi32>,
    %get3A_125 = vector.shape_cast %get3A_124 : vector<16xi32> to vector<16xi32>
    %get3A_126 = arith.constant 112 : index
    %get3A_127 = tpu.vector_load %arg7[%get3A_126] {strides = array<i32>} : memref<320xi32, #tpu.memory_space<vmem>>, vector<16xi32>,
    %get3A_128 = vector.shape_cast %get3A_127 : vector<16xi32> to vector<16xi32>
    %mul3A_129 = arith.constant 96 : i32
    %mul3A_130 = vector.broadcast %mul3A_129 : i32 to vector<16xi32>
    %mul3A_131 = arith.muli %get3A_128, %mul3A_130 : vector<16xi32>
    %add3A_132 = arith.addi %mul3A_131, %get3A_125 : vector<16xi32>
    %swap3A_133 = arith.constant 1 : i32
    %swap3A_134 = arith.index_cast %swap3A_133 : i32 to index
    %swap3A_135 = arith.constant 32 : index
    %swap3A_136 = tpu.vector_load %arg8[%swap3A_134, %swap3A_135] {strides = array<i32>} : memref<4x80xi32, #tpu.memory_space<vmem>>, vector<1x16xi32>,
    %swap3A_137 = vector.shape_cast %swap3A_136 : vector<1x16xi32> to vector<16xi32>
    %swap3A_138 = vector.shape_cast %add3A_132 : vector<16xi32> to vector<1x16xi32>
    tpu.vector_store %arg8[%swap3A_134, %swap3A_135], %swap3A_138 {strides = array<i32>} : memref<4x80xi32, #tpu.memory_space<vmem>>, vector<1x16xi32>,
    %get3A_139 = arith.constant 128 : index
    %get3A_140 = tpu.vector_load %arg6[%get3A_139] {strides = array<i32>} : memref<320xi32, #tpu.memory_space<vmem>>, vector<16xi32>,
    %get3A_141 = vector.shape_cast %get3A_140 : vector<16xi32> to vector<16xi32>
    %get3A_142 = arith.constant 128 : index
    %get3A_143 = tpu.vector_load %arg7[%get3A_142] {strides = array<i32>} : memref<320xi32, #tpu.memory_space<vmem>>, vector<16xi32>,
    %get3A_144 = vector.shape_cast %get3A_143 : vector<16xi32> to vector<16xi32>
    %mul3A_145 = arith.constant 96 : i32
    %mul3A_146 = vector.broadcast %mul3A_145 : i32 to vector<16xi32>
    %mul3A_147 = arith.muli %get3A_144, %mul3A_146 : vector<16xi32>
    %add3A_148 = arith.addi %mul3A_147, %get3A_141 : vector<16xi32>
    %swap3A_149 = arith.constant 1 : i32
    %swap3A_150 = arith.index_cast %swap3A_149 : i32 to index
    %swap3A_151 = arith.constant 48 : index
    %swap3A_152 = tpu.vector_load %arg8[%swap3A_150, %swap3A_151] {strides = array<i32>} : memref<4x80xi32, #tpu.memory_space<vmem>>, vector<1x16xi32>,
    %swap3A_153 = vector.shape_cast %swap3A_152 : vector<1x16xi32> to vector<16xi32>
    %swap3A_154 = vector.shape_cast %add3A_148 : vector<16xi32> to vector<1x16xi32>
    tpu.vector_store %arg8[%swap3A_150, %swap3A_151], %swap3A_154 {strides = array<i32>} : memref<4x80xi32, #tpu.memory_space<vmem>>, vector<1x16xi32>,
    %get3A_155 = arith.constant 144 : index
    %get3A_156 = tpu.vector_load %arg6[%get3A_155] {strides = array<i32>} : memref<320xi32, #tpu.memory_space<vmem>>, vector<16xi32>,
    %get3A_157 = vector.shape_cast %get3A_156 : vector<16xi32> to vector<16xi32>
    %get3A_158 = arith.constant 144 : index
    %get3A_159 = tpu.vector_load %arg7[%get3A_158] {strides = array<i32>} : memref<320xi32, #tpu.memory_space<vmem>>, vector<16xi32>,
    %get3A_160 = vector.shape_cast %get3A_159 : vector<16xi32> to vector<16xi32>
    %mul3A_161 = arith.constant 96 : i32
    %mul3A_162 = vector.broadcast %mul3A_161 : i32 to vector<16xi32>
    %mul3A_163 = arith.muli %get3A_160, %mul3A_162 : vector<16xi32>
    %add3A_164 = arith.addi %mul3A_163, %get3A_157 : vector<16xi32>
    %swap3A_165 = arith.constant 1 : i32
    %swap3A_166 = arith.index_cast %swap3A_165 : i32 to index
    %swap3A_167 = arith.constant 64 : index
    %swap3A_168 = tpu.vector_load %arg8[%swap3A_166, %swap3A_167] {strides = array<i32>} : memref<4x80xi32, #tpu.memory_space<vmem>>, vector<1x16xi32>,
    %swap3A_169 = vector.shape_cast %swap3A_168 : vector<1x16xi32> to vector<16xi32>
    %swap3A_170 = vector.shape_cast %add3A_164 : vector<16xi32> to vector<1x16xi32>
    tpu.vector_store %arg8[%swap3A_166, %swap3A_167], %swap3A_170 {strides = array<i32>} : memref<4x80xi32, #tpu.memory_space<vmem>>, vector<1x16xi32>,
    %get3A_171 = arith.constant 160 : index
    %get3A_172 = tpu.vector_load %arg6[%get3A_171] {strides = array<i32>} : memref<320xi32, #tpu.memory_space<vmem>>, vector<16xi32>,
    %get3A_173 = vector.shape_cast %get3A_172 : vector<16xi32> to vector<16xi32>
    %get3A_174 = arith.constant 160 : index
    %get3A_175 = tpu.vector_load %arg7[%get3A_174] {strides = array<i32>} : memref<320xi32, #tpu.memory_space<vmem>>, vector<16xi32>,
    %get3A_176 = vector.shape_cast %get3A_175 : vector<16xi32> to vector<16xi32>
    %mul3A_177 = arith.constant 96 : i32
    %mul3A_178 = vector.broadcast %mul3A_177 : i32 to vector<16xi32>
    %mul3A_179 = arith.muli %get3A_176, %mul3A_178 : vector<16xi32>
    %add3A_180 = arith.addi %mul3A_179, %get3A_173 : vector<16xi32>
    %swap3A_181 = arith.constant 2 : i32
    %swap3A_182 = arith.index_cast %swap3A_181 : i32 to index
    %swap3A_183 = arith.constant 0 : index
    %swap3A_184 = tpu.vector_load %arg8[%swap3A_182, %swap3A_183] {strides = array<i32>} : memref<4x80xi32, #tpu.memory_space<vmem>>, vector<1x16xi32>,
    %swap3A_185 = vector.shape_cast %swap3A_184 : vector<1x16xi32> to vector<16xi32>
    %swap3A_186 = vector.shape_cast %add3A_180 : vector<16xi32> to vector<1x16xi32>
    tpu.vector_store %arg8[%swap3A_182, %swap3A_183], %swap3A_186 {strides = array<i32>} : memref<4x80xi32, #tpu.memory_space<vmem>>, vector<1x16xi32>,
    %get3A_187 = arith.constant 176 : index
    %get3A_188 = tpu.vector_load %arg6[%get3A_187] {strides = array<i32>} : memref<320xi32, #tpu.memory_space<vmem>>, vector<16xi32>,
    %get3A_189 = vector.shape_cast %get3A_188 : vector<16xi32> to vector<16xi32>
    %get3A_190 = arith.constant 176 : index
    %get3A_191 = tpu.vector_load %arg7[%get3A_190] {strides = array<i32>} : memref<320xi32, #tpu.memory_space<vmem>>, vector<16xi32>,
    %get3A_192 = vector.shape_cast %get3A_191 : vector<16xi32> to vector<16xi32>
    %mul3A_193 = arith.constant 96 : i32
    %mul3A_194 = vector.broadcast %mul3A_193 : i32 to vector<16xi32>
    %mul3A_195 = arith.muli %get3A_192, %mul3A_194 : vector<16xi32>
    %add3A_196 = arith.addi %mul3A_195, %get3A_189 : vector<16xi32>
    %swap3A_197 = arith.constant 2 : i32
    %swap3A_198 = arith.index_cast %swap3A_197 : i32 to index
    %swap3A_199 = arith.constant 16 : index
    %swap3A_200 = tpu.vector_load %arg8[%swap3A_198, %swap3A_199] {strides = array<i32>} : memref<4x80xi32, #tpu.memory_space<vmem>>, vector<1x16xi32>,
    %swap3A_201 = vector.shape_cast %swap3A_200 : vector<1x16xi32> to vector<16xi32>
    %swap3A_202 = vector.shape_cast %add3A_196 : vector<16xi32> to vector<1x16xi32>
    tpu.vector_store %arg8[%swap3A_198, %swap3A_199], %swap3A_202 {strides = array<i32>} : memref<4x80xi32, #tpu.memory_space<vmem>>, vector<1x16xi32>,
    %get3A_203 = arith.constant 192 : index
    %get3A_204 = tpu.vector_load %arg6[%get3A_203] {strides = array<i32>} : memref<320xi32, #tpu.memory_space<vmem>>, vector<16xi32>,
    %get3A_205 = vector.shape_cast %get3A_204 : vector<16xi32> to vector<16xi32>
    %get3A_206 = arith.constant 192 : index
    %get3A_207 = tpu.vector_load %arg7[%get3A_206] {strides = array<i32>} : memref<320xi32, #tpu.memory_space<vmem>>, vector<16xi32>,
    %get3A_208 = vector.shape_cast %get3A_207 : vector<16xi32> to vector<16xi32>
    %mul3A_209 = arith.constant 96 : i32
    %mul3A_210 = vector.broadcast %mul3A_209 : i32 to vector<16xi32>
    %mul3A_211 = arith.muli %get3A_208, %mul3A_210 : vector<16xi32>
    %add3A_212 = arith.addi %mul3A_211, %get3A_205 : vector<16xi32>
    %swap3A_213 = arith.constant 2 : i32
    %swap3A_214 = arith.index_cast %swap3A_213 : i32 to index
    %swap3A_215 = arith.constant 32 : index
    %swap3A_216 = tpu.vector_load %arg8[%swap3A_214, %swap3A_215] {strides = array<i32>} : memref<4x80xi32, #tpu.memory_space<vmem>>, vector<1x16xi32>,
    %swap3A_217 = vector.shape_cast %swap3A_216 : vector<1x16xi32> to vector<16xi32>
    %swap3A_218 = vector.shape_cast %add3A_212 : vector<16xi32> to vector<1x16xi32>
    tpu.vector_store %arg8[%swap3A_214, %swap3A_215], %swap3A_218 {strides = array<i32>} : memref<4x80xi32, #tpu.memory_space<vmem>>, vector<1x16xi32>,
    %get3A_219 = arith.constant 208 : index
    %get3A_220 = tpu.vector_load %arg6[%get3A_219] {strides = array<i32>} : memref<320xi32, #tpu.memory_space<vmem>>, vector<16xi32>,
    %get3A_221 = vector.shape_cast %get3A_220 : vector<16xi32> to vector<16xi32>
    %get3A_222 = arith.constant 208 : index
    %get3A_223 = tpu.vector_load %arg7[%get3A_222] {strides = array<i32>} : memref<320xi32, #tpu.memory_space<vmem>>, vector<16xi32>,
    %get3A_224 = vector.shape_cast %get3A_223 : vector<16xi32> to vector<16xi32>
    %mul3A_225 = arith.constant 96 : i32
    %mul3A_226 = vector.broadcast %mul3A_225 : i32 to vector<16xi32>
    %mul3A_227 = arith.muli %get3A_224, %mul3A_226 : vector<16xi32>
    %add3A_228 = arith.addi %mul3A_227, %get3A_221 : vector<16xi32>
    %swap3A_229 = arith.constant 2 : i32
    %swap3A_230 = arith.index_cast %swap3A_229 : i32 to index
    %swap3A_231 = arith.constant 48 : index
    %swap3A_232 = tpu.vector_load %arg8[%swap3A_230, %swap3A_231] {strides = array<i32>} : memref<4x80xi32, #tpu.memory_space<vmem>>, vector<1x16xi32>,
    %swap3A_233 = vector.shape_cast %swap3A_232 : vector<1x16xi32> to vector<16xi32>
    %swap3A_234 = vector.shape_cast %add3A_228 : vector<16xi32> to vector<1x16xi32>
    tpu.vector_store %arg8[%swap3A_230, %swap3A_231], %swap3A_234 {strides = array<i32>} : memref<4x80xi32, #tpu.memory_space<vmem>>, vector<1x16xi32>,
    %get3A_235 = arith.constant 224 : index
    %get3A_236 = tpu.vector_load %arg6[%get3A_235] {strides = array<i32>} : memref<320xi32, #tpu.memory_space<vmem>>, vector<16xi32>,
    %get3A_237 = vector.shape_cast %get3A_236 : vector<16xi32> to vector<16xi32>
    %get3A_238 = arith.constant 224 : index
    %get3A_239 = tpu.vector_load %arg7[%get3A_238] {strides = array<i32>} : memref<320xi32, #tpu.memory_space<vmem>>, vector<16xi32>,
    %get3A_240 = vector.shape_cast %get3A_239 : vector<16xi32> to vector<16xi32>
    %mul3A_241 = arith.constant 96 : i32
    %mul3A_242 = vector.broadcast %mul3A_241 : i32 to vector<16xi32>
    %mul3A_243 = arith.muli %get3A_240, %mul3A_242 : vector<16xi32>
    %add3A_244 = arith.addi %mul3A_243, %get3A_237 : vector<16xi32>
    %swap3A_245 = arith.constant 2 : i32
    %swap3A_246 = arith.index_cast %swap3A_245 : i32 to index
    %swap3A_247 = arith.constant 64 : index
    %swap3A_248 = tpu.vector_load %arg8[%swap3A_246, %swap3A_247] {strides = array<i32>} : memref<4x80xi32, #tpu.memory_space<vmem>>, vector<1x16xi32>,
    %swap3A_249 = vector.shape_cast %swap3A_248 : vector<1x16xi32> to vector<16xi32>
    %swap3A_250 = vector.shape_cast %add3A_244 : vector<16xi32> to vector<1x16xi32>
    tpu.vector_store %arg8[%swap3A_246, %swap3A_247], %swap3A_250 {strides = array<i32>} : memref<4x80xi32, #tpu.memory_space<vmem>>, vector<1x16xi32>,
    %get3A_251 = arith.constant 240 : index
    %get3A_252 = tpu.vector_load %arg6[%get3A_251] {strides = array<i32>} : memref<320xi32, #tpu.memory_space<vmem>>, vector<16xi32>,
    %get3A_253 = vector.shape_cast %get3A_252 : vector<16xi32> to vector<16xi32>
    %get3A_254 = arith.constant 240 : index
    %get3A_255 = tpu.vector_load %arg7[%get3A_254] {strides = array<i32>} : memref<320xi32, #tpu.memory_space<vmem>>, vector<16xi32>,
    %get3A_256 = vector.shape_cast %get3A_255 : vector<16xi32> to vector<16xi32>
    %mul3A_257 = arith.constant 96 : i32
    %mul3A_258 = vector.broadcast %mul3A_257 : i32 to vector<16xi32>
    %mul3A_259 = arith.muli %get3A_256, %mul3A_258 : vector<16xi32>
    %add3A_260 = arith.addi %mul3A_259, %get3A_253 : vector<16xi32>
    %swap3A_261 = arith.constant 3 : i32
    %swap3A_262 = arith.index_cast %swap3A_261 : i32 to index
    %swap3A_263 = arith.constant 0 : index
    %swap3A_264 = tpu.vector_load %arg8[%swap3A_262, %swap3A_263] {strides = array<i32>} : memref<4x80xi32, #tpu.memory_space<vmem>>, vector<1x16xi32>,
    %swap3A_265 = vector.shape_cast %swap3A_264 : vector<1x16xi32> to vector<16xi32>
    %swap3A_266 = vector.shape_cast %add3A_260 : vector<16xi32> to vector<1x16xi32>
    tpu.vector_store %arg8[%swap3A_262, %swap3A_263], %swap3A_266 {strides = array<i32>} : memref<4x80xi32, #tpu.memory_space<vmem>>, vector<1x16xi32>,
    %get3A_267 = arith.constant 256 : index
    %get3A_268 = tpu.vector_load %arg6[%get3A_267] {strides = array<i32>} : memref<320xi32, #tpu.memory_space<vmem>>, vector<16xi32>,
    %get3A_269 = vector.shape_cast %get3A_268 : vector<16xi32> to vector<16xi32>
    %get3A_270 = arith.constant 256 : index
    %get3A_271 = tpu.vector_load %arg7[%get3A_270] {strides = array<i32>} : memref<320xi32, #tpu.memory_space<vmem>>, vector<16xi32>,
    %get3A_272 = vector.shape_cast %get3A_271 : vector<16xi32> to vector<16xi32>
    %mul3A_273 = arith.constant 96 : i32
    %mul3A_274 = vector.broadcast %mul3A_273 : i32 to vector<16xi32>
    %mul3A_275 = arith.muli %get3A_272, %mul3A_274 : vector<16xi32>
    %add3A_276 = arith.addi %mul3A_275, %get3A_269 : vector<16xi32>
    %swap3A_277 = arith.constant 3 : i32
    %swap3A_278 = arith.index_cast %swap3A_277 : i32 to index
    %swap3A_279 = arith.constant 16 : index
    %swap3A_280 = tpu.vector_load %arg8[%swap3A_278, %swap3A_279] {strides = array<i32>} : memref<4x80xi32, #tpu.memory_space<vmem>>, vector<1x16xi32>,
    %swap3A_281 = vector.shape_cast %swap3A_280 : vector<1x16xi32> to vector<16xi32>
    %swap3A_282 = vector.shape_cast %add3A_276 : vector<16xi32> to vector<1x16xi32>
    tpu.vector_store %arg8[%swap3A_278, %swap3A_279], %swap3A_282 {strides = array<i32>} : memref<4x80xi32, #tpu.memory_space<vmem>>, vector<1x16xi32>,
    %get3A_283 = arith.constant 272 : index
    %get3A_284 = tpu.vector_load %arg6[%get3A_283] {strides = array<i32>} : memref<320xi32, #tpu.memory_space<vmem>>, vector<16xi32>,
    %get3A_285 = vector.shape_cast %get3A_284 : vector<16xi32> to vector<16xi32>
    %get3A_286 = arith.constant 272 : index
    %get3A_287 = tpu.vector_load %arg7[%get3A_286] {strides = array<i32>} : memref<320xi32, #tpu.memory_space<vmem>>, vector<16xi32>,
    %get3A_288 = vector.shape_cast %get3A_287 : vector<16xi32> to vector<16xi32>
    %mul3A_289 = arith.constant 96 : i32
    %mul3A_290 = vector.broadcast %mul3A_289 : i32 to vector<16xi32>
    %mul3A_291 = arith.muli %get3A_288, %mul3A_290 : vector<16xi32>
    %add3A_292 = arith.addi %mul3A_291, %get3A_285 : vector<16xi32>
    %swap3A_293 = arith.constant 3 : i32
    %swap3A_294 = arith.index_cast %swap3A_293 : i32 to index
    %swap3A_295 = arith.constant 32 : index
    %swap3A_296 = tpu.vector_load %arg8[%swap3A_294, %swap3A_295] {strides = array<i32>} : memref<4x80xi32, #tpu.memory_space<vmem>>, vector<1x16xi32>,
    %swap3A_297 = vector.shape_cast %swap3A_296 : vector<1x16xi32> to vector<16xi32>
    %swap3A_298 = vector.shape_cast %add3A_292 : vector<16xi32> to vector<1x16xi32>
    tpu.vector_store %arg8[%swap3A_294, %swap3A_295], %swap3A_298 {strides = array<i32>} : memref<4x80xi32, #tpu.memory_space<vmem>>, vector<1x16xi32>,
    %get3A_299 = arith.constant 288 : index
    %get3A_300 = tpu.vector_load %arg6[%get3A_299] {strides = array<i32>} : memref<320xi32, #tpu.memory_space<vmem>>, vector<16xi32>,
    %get3A_301 = vector.shape_cast %get3A_300 : vector<16xi32> to vector<16xi32>
    %get3A_302 = arith.constant 288 : index
    %get3A_303 = tpu.vector_load %arg7[%get3A_302] {strides = array<i32>} : memref<320xi32, #tpu.memory_space<vmem>>, vector<16xi32>,
    %get3A_304 = vector.shape_cast %get3A_303 : vector<16xi32> to vector<16xi32>
    %mul3A_305 = arith.constant 96 : i32
    %mul3A_306 = vector.broadcast %mul3A_305 : i32 to vector<16xi32>
    %mul3A_307 = arith.muli %get3A_304, %mul3A_306 : vector<16xi32>
    %add3A_308 = arith.addi %mul3A_307, %get3A_301 : vector<16xi32>
    %swap3A_309 = arith.constant 3 : i32
    %swap3A_310 = arith.index_cast %swap3A_309 : i32 to index
    %swap3A_311 = arith.constant 48 : index
    %swap3A_312 = tpu.vector_load %arg8[%swap3A_310, %swap3A_311] {strides = array<i32>} : memref<4x80xi32, #tpu.memory_space<vmem>>, vector<1x16xi32>,
    %swap3A_313 = vector.shape_cast %swap3A_312 : vector<1x16xi32> to vector<16xi32>
    %swap3A_314 = vector.shape_cast %add3A_308 : vector<16xi32> to vector<1x16xi32>
    tpu.vector_store %arg8[%swap3A_310, %swap3A_311], %swap3A_314 {strides = array<i32>} : memref<4x80xi32, #tpu.memory_space<vmem>>, vector<1x16xi32>,
    %get3A_315 = arith.constant 304 : index
    %get3A_316 = tpu.vector_load %arg6[%get3A_315] {strides = array<i32>} : memref<320xi32, #tpu.memory_space<vmem>>, vector<16xi32>,
    %get3A_317 = vector.shape_cast %get3A_316 : vector<16xi32> to vector<16xi32>
    %get3A_318 = arith.constant 304 : index
    %get3A_319 = tpu.vector_load %arg7[%get3A_318] {strides = array<i32>} : memref<320xi32, #tpu.memory_space<vmem>>, vector<16xi32>,
    %get3A_320 = vector.shape_cast %get3A_319 : vector<16xi32> to vector<16xi32>
    %mul3A_321 = arith.constant 96 : i32
    %mul3A_322 = vector.broadcast %mul3A_321 : i32 to vector<16xi32>
    %mul3A_323 = arith.muli %get3A_320, %mul3A_322 : vector<16xi32>
    %add3A_324 = arith.addi %mul3A_323, %get3A_317 : vector<16xi32>
    %swap3A_325 = arith.constant 3 : i32
    %swap3A_326 = arith.index_cast %swap3A_325 : i32 to index
    %swap3A_327 = arith.constant 64 : index
    %swap3A_328 = tpu.vector_load %arg8[%swap3A_326, %swap3A_327] {strides = array<i32>} : memref<4x80xi32, #tpu.memory_space<vmem>>, vector<1x16xi32>,
    %swap3A_329 = vector.shape_cast %swap3A_328 : vector<1x16xi32> to vector<16xi32>
    %swap3A_330 = vector.shape_cast %add3A_324 : vector<16xi32> to vector<1x16xi32>
    tpu.vector_store %arg8[%swap3A_326, %swap3A_327], %swap3A_330 {strides = array<i32>} : memref<4x80xi32, #tpu.memory_space<vmem>>, vector<1x16xi32>,
    %dma_start3A = arith.constant 0 : i32
    %dma_start3A_331 = arith.constant 0 : i32
    %dma_start3A_332 = arith.constant 0 : i32
    %dma_start3A_333 = tpu.memref_slice %arg9[%dma_start3A_331, %dma_start3A_332] : memref<320x384xf32, #tpu.memory_space<vmem>> -> memref<80x384xf32, #tpu.memory_space<vmem>>
    %dma_start3A_334 = arith.constant 0 : i32
    %dma_start3A_335 = tpu.memref_slice %arg8[%dma_start3A, %dma_start3A_334] : memref<4x80xi32, #tpu.memory_space<vmem>> -> memref<1x80xi32, #tpu.memory_space<vmem>>
    %dma_start3A_336 = tpu.memref_squeeze %dma_start3A_335 : memref<1x80xi32, #tpu.memory_space<vmem>> -> memref<80xi32, #tpu.memory_space<vmem>>
    %dma_start3A_337 = arith.constant 0 : i32
    %dma_start3A_338 = arith.constant 0 : i32
    %dma_start3A_339 = tpu.memref_slice %arg2[%dma_start3A_337, %dma_start3A_338] : memref<288x384xf32, #tpu.memory_space<hbm>> -> memref<288x384xf32, #tpu.memory_space<hbm>>
    tpu.enqueue_indirect_dma source(%dma_start3A_339 : memref<288x384xf32, #tpu.memory_space<hbm>>) target(%dma_start3A_333 : memref<80x384xf32, #tpu.memory_space<vmem>>) offsets(%dma_start3A_336 : memref<80xi32, #tpu.memory_space<vmem>>) semaphore(%arg10 : memref<!tpu.dma_semaphore, #tpu.memory_space<semaphore_mem>>)
    %dma_start3A_340 = arith.constant 1 : i32
    %dma_start3A_341 = arith.constant 80 : i32
    %dma_start3A_342 = arith.constant 0 : i32
    %dma_start3A_343 = tpu.memref_slice %arg9[%dma_start3A_341, %dma_start3A_342] : memref<320x384xf32, #tpu.memory_space<vmem>> -> memref<80x384xf32, #tpu.memory_space<vmem>>
    %dma_start3A_344 = arith.constant 0 : i32
    %dma_start3A_345 = tpu.memref_slice %arg8[%dma_start3A_340, %dma_start3A_344] : memref<4x80xi32, #tpu.memory_space<vmem>> -> memref<1x80xi32, #tpu.memory_space<vmem>>
    %dma_start3A_346 = tpu.memref_squeeze %dma_start3A_345 : memref<1x80xi32, #tpu.memory_space<vmem>> -> memref<80xi32, #tpu.memory_space<vmem>>
    %dma_start3A_347 = arith.constant 0 : i32
    %dma_start3A_348 = arith.constant 0 : i32
    %dma_start3A_349 = tpu.memref_slice %arg2[%dma_start3A_347, %dma_start3A_348] : memref<288x384xf32, #tpu.memory_space<hbm>> -> memref<288x384xf32, #tpu.memory_space<hbm>>
    tpu.enqueue_indirect_dma source(%dma_start3A_349 : memref<288x384xf32, #tpu.memory_space<hbm>>) target(%dma_start3A_343 : memref<80x384xf32, #tpu.memory_space<vmem>>) offsets(%dma_start3A_346 : memref<80xi32, #tpu.memory_space<vmem>>) semaphore(%arg10 : memref<!tpu.dma_semaphore, #tpu.memory_space<semaphore_mem>>)
    %dma_start3A_350 = arith.constant 2 : i32
    %dma_start3A_351 = arith.constant 160 : i32
    %dma_start3A_352 = arith.constant 0 : i32
    %dma_start3A_353 = tpu.memref_slice %arg9[%dma_start3A_351, %dma_start3A_352] : memref<320x384xf32, #tpu.memory_space<vmem>> -> memref<80x384xf32, #tpu.memory_space<vmem>>
    %dma_start3A_354 = arith.constant 0 : i32
    %dma_start3A_355 = tpu.memref_slice %arg8[%dma_start3A_350, %dma_start3A_354] : memref<4x80xi32, #tpu.memory_space<vmem>> -> memref<1x80xi32, #tpu.memory_space<vmem>>
    %dma_start3A_356 = tpu.memref_squeeze %dma_start3A_355 : memref<1x80xi32, #tpu.memory_space<vmem>> -> memref<80xi32, #tpu.memory_space<vmem>>
    %dma_start3A_357 = arith.constant 0 : i32
    %dma_start3A_358 = arith.constant 0 : i32
    %dma_start3A_359 = tpu.memref_slice %arg2[%dma_start3A_357, %dma_start3A_358] : memref<288x384xf32, #tpu.memory_space<hbm>> -> memref<288x384xf32, #tpu.memory_space<hbm>>
    tpu.enqueue_indirect_dma source(%dma_start3A_359 : memref<288x384xf32, #tpu.memory_space<hbm>>) target(%dma_start3A_353 : memref<80x384xf32, #tpu.memory_space<vmem>>) offsets(%dma_start3A_356 : memref<80xi32, #tpu.memory_space<vmem>>) semaphore(%arg10 : memref<!tpu.dma_semaphore, #tpu.memory_space<semaphore_mem>>)
    %dma_wait3A = arith.constant 0 : i32
    %dma_wait3A_360 = arith.constant 0 : i32
    %dma_wait3A_361 = arith.constant 0 : i32
    %dma_wait3A_362 = tpu.memref_slice %arg9[%dma_wait3A_360, %dma_wait3A_361] : memref<320x384xf32, #tpu.memory_space<vmem>> -> memref<80x384xf32, #tpu.memory_space<vmem>>
    %dma_wait3A_363 = arith.constant 0 : i32
    %dma_wait3A_364 = tpu.memref_slice %arg8[%dma_wait3A, %dma_wait3A_363] : memref<4x80xi32, #tpu.memory_space<vmem>> -> memref<1x80xi32, #tpu.memory_space<vmem>>
    %dma_wait3A_365 = tpu.memref_squeeze %dma_wait3A_364 : memref<1x80xi32, #tpu.memory_space<vmem>> -> memref<80xi32, #tpu.memory_space<vmem>>
    %dma_wait3A_366 = arith.constant 0 : i32
    %dma_wait3A_367 = arith.constant 0 : i32
    %dma_wait3A_368 = tpu.memref_slice %arg2[%dma_wait3A_366, %dma_wait3A_367] : memref<288x384xf32, #tpu.memory_space<hbm>> -> memref<288x384xf32, #tpu.memory_space<hbm>>
    tpu.wait_indirect_dma semaphore(%arg10 : memref<!tpu.dma_semaphore, #tpu.memory_space<semaphore_mem>>) src(%dma_wait3A_368 : memref<288x384xf32, #tpu.memory_space<hbm>>) dst(%dma_wait3A_362 : memref<80x384xf32, #tpu.memory_space<vmem>>)
    %dma_wait3A_369 = arith.constant 1 : i32
    %dma_wait3A_370 = arith.constant 80 : i32
    %dma_wait3A_371 = arith.constant 0 : i32
    %dma_wait3A_372 = tpu.memref_slice %arg9[%dma_wait3A_370, %dma_wait3A_371] : memref<320x384xf32, #tpu.memory_space<vmem>> -> memref<80x384xf32, #tpu.memory_space<vmem>>
    %dma_wait3A_373 = arith.constant 0 : i32
    %dma_wait3A_374 = tpu.memref_slice %arg8[%dma_wait3A_369, %dma_wait3A_373] : memref<4x80xi32, #tpu.memory_space<vmem>> -> memref<1x80xi32, #tpu.memory_space<vmem>>
    %dma_wait3A_375 = tpu.memref_squeeze %dma_wait3A_374 : memref<1x80xi32, #tpu.memory_space<vmem>> -> memref<80xi32, #tpu.memory_space<vmem>>
    %dma_wait3A_376 = arith.constant 0 : i32
    %dma_wait3A_377 = arith.constant 0 : i32
    %dma_wait3A_378 = tpu.memref_slice %arg2[%dma_wait3A_376, %dma_wait3A_377] : memref<288x384xf32, #tpu.memory_space<hbm>> -> memref<288x384xf32, #tpu.memory_space<hbm>>
    tpu.wait_indirect_dma semaphore(%arg10 : memref<!tpu.dma_semaphore, #tpu.memory_space<semaphore_mem>>) src(%dma_wait3A_378 : memref<288x384xf32, #tpu.memory_space<hbm>>) dst(%dma_wait3A_372 : memref<80x384xf32, #tpu.memory_space<vmem>>)
    %dma_wait3A_379 = arith.constant 2 : i32
    %dma_wait3A_380 = arith.constant 160 : i32
    %dma_wait3A_381 = arith.constant 0 : i32
    %dma_wait3A_382 = tpu.memref_slice %arg9[%dma_wait3A_380, %dma_wait3A_381] : memref<320x384xf32, #tpu.memory_space<vmem>> -> memref<80x384xf32, #tpu.memory_space<vmem>>
    %dma_wait3A_383 = arith.constant 0 : i32
    %dma_wait3A_384 = tpu.memref_slice %arg8[%dma_wait3A_379, %dma_wait3A_383] : memref<4x80xi32, #tpu.memory_space<vmem>> -> memref<1x80xi32, #tpu.memory_space<vmem>>
    %dma_wait3A_385 = tpu.memref_squeeze %dma_wait3A_384 : memref<1x80xi32, #tpu.memory_space<vmem>> -> memref<80xi32, #tpu.memory_space<vmem>>
    %dma_wait3A_386 = arith.constant 0 : i32
    %dma_wait3A_387 = arith.constant 0 : i32
    %dma_wait3A_388 = tpu.memref_slice %arg2[%dma_wait3A_386, %dma_wait3A_387] : memref<288x384xf32, #tpu.memory_space<hbm>> -> memref<288x384xf32, #tpu.memory_space<hbm>>
    tpu.wait_indirect_dma semaphore(%arg10 : memref<!tpu.dma_semaphore, #tpu.memory_space<semaphore_mem>>) src(%dma_wait3A_388 : memref<288x384xf32, #tpu.memory_space<hbm>>) dst(%dma_wait3A_382 : memref<80x384xf32, #tpu.memory_space<vmem>>)
    %convert_element_type3A_389 = arith.extui %lt3A_1 : i1 to i32
    %cond3A_390 = arith.constant 0 : i32
    %cond3A_391 = arith.cmpi ne, %convert_element_type3A_389, %cond3A_390 : i32
    scf.if %cond3A_391 {
      %dma_start3A_397 = arith.constant 3 : i32
      %dma_start3A_398 = arith.constant 240 : i32
      %dma_start3A_399 = arith.constant 0 : i32
      %dma_start3A_400 = tpu.memref_slice %arg9[%dma_start3A_398, %dma_start3A_399] : memref<320x384xf32, #tpu.memory_space<vmem>> -> memref<80x384xf32, #tpu.memory_space<vmem>>
      %dma_start3A_401 = arith.constant 0 : i32
      %dma_start3A_402 = tpu.memref_slice %arg8[%dma_start3A_397, %dma_start3A_401] : memref<4x80xi32, #tpu.memory_space<vmem>> -> memref<1x80xi32, #tpu.memory_space<vmem>>
      %dma_start3A_403 = tpu.memref_squeeze %dma_start3A_402 : memref<1x80xi32, #tpu.memory_space<vmem>> -> memref<80xi32, #tpu.memory_space<vmem>>
      %dma_start3A_404 = arith.constant 0 : i32
      %dma_start3A_405 = arith.constant 0 : i32
      %dma_start3A_406 = tpu.memref_slice %arg2[%dma_start3A_404, %dma_start3A_405] : memref<288x384xf32, #tpu.memory_space<hbm>> -> memref<288x384xf32, #tpu.memory_space<hbm>>
      tpu.enqueue_indirect_dma source(%dma_start3A_406 : memref<288x384xf32, #tpu.memory_space<hbm>>) target(%dma_start3A_400 : memref<80x384xf32, #tpu.memory_space<vmem>>) offsets(%dma_start3A_403 : memref<80xi32, #tpu.memory_space<vmem>>) semaphore(%arg10 : memref<!tpu.dma_semaphore, #tpu.memory_space<semaphore_mem>>)
      %dma_wait3A_407 = arith.constant 3 : i32
      %dma_wait3A_408 = arith.constant 240 : i32
      %dma_wait3A_409 = arith.constant 0 : i32
      %dma_wait3A_410 = tpu.memref_slice %arg9[%dma_wait3A_408, %dma_wait3A_409] : memref<320x384xf32, #tpu.memory_space<vmem>> -> memref<80x384xf32, #tpu.memory_space<vmem>>
      %dma_wait3A_411 = arith.constant 0 : i32
      %dma_wait3A_412 = tpu.memref_slice %arg8[%dma_wait3A_407, %dma_wait3A_411] : memref<4x80xi32, #tpu.memory_space<vmem>> -> memref<1x80xi32, #tpu.memory_space<vmem>>
      %dma_wait3A_413 = tpu.memref_squeeze %dma_wait3A_412 : memref<1x80xi32, #tpu.memory_space<vmem>> -> memref<80xi32, #tpu.memory_space<vmem>>
      %dma_wait3A_414 = arith.constant 0 : i32
      %dma_wait3A_415 = arith.constant 0 : i32
      %dma_wait3A_416 = tpu.memref_slice %arg2[%dma_wait3A_414, %dma_wait3A_415] : memref<288x384xf32, #tpu.memory_space<hbm>> -> memref<288x384xf32, #tpu.memory_space<hbm>>
      tpu.wait_indirect_dma semaphore(%arg10 : memref<!tpu.dma_semaphore, #tpu.memory_space<semaphore_mem>>) src(%dma_wait3A_416 : memref<288x384xf32, #tpu.memory_space<hbm>>) dst(%dma_wait3A_410 : memref<80x384xf32, #tpu.memory_space<vmem>>)
      "tpu.region"() ({
        %run_scoped3A = tpu.sem_alloc : memref<!tpu.dma_semaphore, #tpu.memory_space<semaphore_mem>>
        %dma_start3A_417 = arith.constant 0 : i32
        %dma_start3A_418 = tpu.memref_slice %arg5[%add3A_7, %dma_start3A_417] : memref<10000x384xf32, #tpu.memory_space<hbm>> -> memref<320x384xf32, #tpu.memory_space<hbm>>
        %dma_start3A_419 = arith.constant 0 : i32
        %dma_start3A_420 = tpu.memref_slice %arg5[%add3A_7, %dma_start3A_419] : memref<10000x384xf32, #tpu.memory_space<hbm>> -> memref<320x384xf32, #tpu.memory_space<hbm>>
        tpu.enqueue_dma source(%arg9 : memref<320x384xf32, #tpu.memory_space<vmem>>) target(%dma_start3A_420 : memref<320x384xf32, #tpu.memory_space<hbm>>) target_semaphore(%run_scoped3A : memref<!tpu.dma_semaphore, #tpu.memory_space<semaphore_mem>>)
        %dma_wait3A_421 = arith.constant 0 : i32
        %dma_wait3A_422 = tpu.memref_slice %arg5[%add3A_7, %dma_wait3A_421] : memref<10000x384xf32, #tpu.memory_space<hbm>> -> memref<320x384xf32, #tpu.memory_space<hbm>>
        %dma_wait3A_423 = arith.constant 0 : i32
        %dma_wait3A_424 = tpu.memref_slice %arg5[%add3A_7, %dma_wait3A_423] : memref<10000x384xf32, #tpu.memory_space<hbm>> -> memref<320x384xf32, #tpu.memory_space<hbm>>
        tpu.wait_dma2 semaphore(%run_scoped3A : memref<!tpu.dma_semaphore, #tpu.memory_space<semaphore_mem>>) src(%arg9 : memref<320x384xf32, #tpu.memory_space<vmem>>) dst(%dma_wait3A_424 : memref<320x384xf32, #tpu.memory_space<hbm>>)
        tpu.yield
      }) : () -> ()
    } else {
    }
    %not3A_392 = arith.constant true
    %not3A_393 = arith.xori %lt3A_1, %not3A_392 : i1
    %convert_element_type3A_394 = arith.extui %not3A_393 : i1 to i32
    %cond3A_395 = arith.constant 0 : i32
    %cond3A_396 = arith.cmpi ne, %convert_element_type3A_394, %cond3A_395 : i32
    scf.if %cond3A_396 {
      %dma_start3A_397 = arith.constant 3 : i32
      %dma_start3A_398 = arith.constant 240 : i32
      %dma_start3A_399 = arith.constant 0 : i32
      %dma_start3A_400 = tpu.memref_slice %arg9[%dma_start3A_398, %dma_start3A_399] : memref<320x384xf32, #tpu.memory_space<vmem>> -> memref<64x384xf32, #tpu.memory_space<vmem>>
      %dma_start3A_401 = arith.constant 0 : i32
      %dma_start3A_402 = tpu.memref_slice %arg8[%dma_start3A_397, %dma_start3A_401] : memref<4x80xi32, #tpu.memory_space<vmem>> -> memref<1x64xi32, #tpu.memory_space<vmem>>
      %dma_start3A_403 = tpu.memref_squeeze %dma_start3A_402 : memref<1x64xi32, #tpu.memory_space<vmem>> -> memref<64xi32, #tpu.memory_space<vmem>>
      %dma_start3A_404 = arith.constant 0 : i32
      %dma_start3A_405 = arith.constant 0 : i32
      %dma_start3A_406 = tpu.memref_slice %arg2[%dma_start3A_404, %dma_start3A_405] : memref<288x384xf32, #tpu.memory_space<hbm>> -> memref<288x384xf32, #tpu.memory_space<hbm>>
      tpu.enqueue_indirect_dma source(%dma_start3A_406 : memref<288x384xf32, #tpu.memory_space<hbm>>) target(%dma_start3A_400 : memref<64x384xf32, #tpu.memory_space<vmem>>) offsets(%dma_start3A_403 : memref<64xi32, #tpu.memory_space<vmem>>) semaphore(%arg10 : memref<!tpu.dma_semaphore, #tpu.memory_space<semaphore_mem>>)
      %dma_wait3A_407 = arith.constant 3 : i32
      %dma_wait3A_408 = arith.constant 240 : i32
      %dma_wait3A_409 = arith.constant 0 : i32
      %dma_wait3A_410 = tpu.memref_slice %arg9[%dma_wait3A_408, %dma_wait3A_409] : memref<320x384xf32, #tpu.memory_space<vmem>> -> memref<64x384xf32, #tpu.memory_space<vmem>>
      %dma_wait3A_411 = arith.constant 0 : i32
      %dma_wait3A_412 = tpu.memref_slice %arg8[%dma_wait3A_407, %dma_wait3A_411] : memref<4x80xi32, #tpu.memory_space<vmem>> -> memref<1x64xi32, #tpu.memory_space<vmem>>
      %dma_wait3A_413 = tpu.memref_squeeze %dma_wait3A_412 : memref<1x64xi32, #tpu.memory_space<vmem>> -> memref<64xi32, #tpu.memory_space<vmem>>
      %dma_wait3A_414 = arith.constant 0 : i32
      %dma_wait3A_415 = arith.constant 0 : i32
      %dma_wait3A_416 = tpu.memref_slice %arg2[%dma_wait3A_414, %dma_wait3A_415] : memref<288x384xf32, #tpu.memory_space<hbm>> -> memref<288x384xf32, #tpu.memory_space<hbm>>
      tpu.wait_indirect_dma semaphore(%arg10 : memref<!tpu.dma_semaphore, #tpu.memory_space<semaphore_mem>>) src(%dma_wait3A_416 : memref<288x384xf32, #tpu.memory_space<hbm>>) dst(%dma_wait3A_410 : memref<64x384xf32, #tpu.memory_space<vmem>>)
      "tpu.region"() ({
        %run_scoped3A = tpu.sem_alloc : memref<!tpu.dma_semaphore, #tpu.memory_space<semaphore_mem>>
        %dma_start3A_417 = arith.constant 0 : i32
        %dma_start3A_418 = arith.constant 0 : i32
        %dma_start3A_419 = tpu.memref_slice %arg9[%dma_start3A_417, %dma_start3A_418] : memref<320x384xf32, #tpu.memory_space<vmem>> -> memref<304x384xf32, #tpu.memory_space<vmem>>
        %dma_start3A_420 = arith.constant 0 : i32
        %dma_start3A_421 = tpu.memref_slice %arg5[%add3A_7, %dma_start3A_420] : memref<10000x384xf32, #tpu.memory_space<hbm>> -> memref<304x384xf32, #tpu.memory_space<hbm>>
        %dma_start3A_422 = arith.constant 0 : i32
        %dma_start3A_423 = tpu.memref_slice %arg5[%add3A_7, %dma_start3A_422] : memref<10000x384xf32, #tpu.memory_space<hbm>> -> memref<304x384xf32, #tpu.memory_space<hbm>>
        %dma_start3A_424 = arith.constant 0 : i32
        %dma_start3A_425 = arith.constant 0 : i32
        %dma_start3A_426 = tpu.memref_slice %arg9[%dma_start3A_424, %dma_start3A_425] : memref<320x384xf32, #tpu.memory_space<vmem>> -> memref<304x384xf32, #tpu.memory_space<vmem>>
        tpu.enqueue_dma source(%dma_start3A_426 : memref<304x384xf32, #tpu.memory_space<vmem>>) target(%dma_start3A_423 : memref<304x384xf32, #tpu.memory_space<hbm>>) target_semaphore(%run_scoped3A : memref<!tpu.dma_semaphore, #tpu.memory_space<semaphore_mem>>)
        %dma_wait3A_427 = arith.constant 0 : i32
        %dma_wait3A_428 = arith.constant 0 : i32
        %dma_wait3A_429 = tpu.memref_slice %arg9[%dma_wait3A_427, %dma_wait3A_428] : memref<320x384xf32, #tpu.memory_space<vmem>> -> memref<304x384xf32, #tpu.memory_space<vmem>>
        %dma_wait3A_430 = arith.constant 0 : i32
        %dma_wait3A_431 = tpu.memref_slice %arg5[%add3A_7, %dma_wait3A_430] : memref<10000x384xf32, #tpu.memory_space<hbm>> -> memref<304x384xf32, #tpu.memory_space<hbm>>
        %dma_wait3A_432 = arith.constant 0 : i32
        %dma_wait3A_433 = tpu.memref_slice %arg5[%add3A_7, %dma_wait3A_432] : memref<10000x384xf32, #tpu.memory_space<hbm>> -> memref<304x384xf32, #tpu.memory_space<hbm>>
        %dma_wait3A_434 = arith.constant 0 : i32
        %dma_wait3A_435 = arith.constant 0 : i32
        %dma_wait3A_436 = tpu.memref_slice %arg9[%dma_wait3A_434, %dma_wait3A_435] : memref<320x384xf32, #tpu.memory_space<vmem>> -> memref<304x384xf32, #tpu.memory_space<vmem>>
        tpu.wait_dma2 semaphore(%run_scoped3A : memref<!tpu.dma_semaphore, #tpu.memory_space<semaphore_mem>>) src(%dma_wait3A_436 : memref<304x384xf32, #tpu.memory_space<vmem>>) dst(%dma_wait3A_433 : memref<304x384xf32, #tpu.memory_space<hbm>>)
        tpu.yield
      }) : () -> ()
    } else {
    }
    return
  }
}

module attributes {stable_mosaic.version = 14 : i64} {
  func.func @_table_body(%arg0: memref<85x272xf32, #tpu.memory_space<vmem>>, %arg1: memref<85x16xf32, #tpu.memory_space<vmem>>, %arg2: memref<85x1xi32, #tpu.memory_space<vmem>>, %arg3: memref<85x1xi32, #tpu.memory_space<vmem>>, %arg4: memref<8x32xf32, #tpu.memory_space<vmem>>, %arg5: memref<19x32xf32, #tpu.memory_space<vmem>>, %arg6: memref<3x32xf32, #tpu.memory_space<vmem>>, %arg7: memref<384x384xf32, #tpu.memory_space<vmem>>, %arg8: memref<384xf32, #tpu.memory_space<vmem>>, %arg9: memref<288x384xf32, #tpu.memory_space<vmem>>) attributes {dimension_semantics = [], scalar_prefetch = 0 : i64, scratch_operands = 0 : i64, tpu.core_type = #tpu.core_type<tc>} {
    %get3A = arith.constant 0 : index
    %get3A_0 = arith.constant 0 : index
    %get3A_1 = vector.load %arg7[%get3A, %get3A_0] : memref<384x384xf32, #tpu.memory_space<vmem>>, vector<272x384xf32>
    %get3A_2 = arith.constant 272 : index
    %get3A_3 = arith.constant 0 : index
    %get3A_4 = vector.load %arg7[%get3A_2, %get3A_3] : memref<384x384xf32, #tpu.memory_space<vmem>>, vector<32x384xf32>
    %get3A_5 = arith.constant 304 : index
    %get3A_6 = arith.constant 0 : index
    %get3A_7 = vector.load %arg7[%get3A_5, %get3A_6] : memref<384x384xf32, #tpu.memory_space<vmem>>, vector<16x384xf32>
    %get3A_8 = arith.constant 320 : index
    %get3A_9 = arith.constant 0 : index
    %get3A_10 = vector.load %arg7[%get3A_8, %get3A_9] : memref<384x384xf32, #tpu.memory_space<vmem>>, vector<32x384xf32>
    %get3A_11 = arith.constant 352 : index
    %get3A_12 = arith.constant 0 : index
    %get3A_13 = vector.load %arg7[%get3A_11, %get3A_12] : memref<384x384xf32, #tpu.memory_space<vmem>>, vector<32x384xf32>
    %get3A_14 = arith.constant 0 : index
    %get3A_15 = arith.constant 0 : index
    %get3A_16 = vector.load %arg4[%get3A_14, %get3A_15] : memref<8x32xf32, #tpu.memory_space<vmem>>, vector<8x32xf32>
    %dot_general3A = arith.constant dense<0.000000e+00> : vector<8x384xf32>
    %dot_general3A_17 = tpu.matmul %get3A_16, %get3A_10, %dot_general3A {dimension_numbers = #tpu.dot_dimension_numbers<[1], [0], [0], [1], [0, 0, 1, 1], [], []>, transpose_lhs_hint = false} : vector<8x32xf32>, vector<32x384xf32>, vector<8x384xf32> -> vector<8x384xf32>
    %get3A_18 = arith.constant 0 : index
    %get3A_19 = arith.constant 0 : index
    %get3A_20 = vector.load %arg5[%get3A_18, %get3A_19] : memref<19x32xf32, #tpu.memory_space<vmem>>, vector<19x32xf32>
    %dot_general3A_21 = arith.constant dense<0.000000e+00> : vector<19x384xf32>
    %dot_general3A_22 = tpu.matmul %get3A_20, %get3A_13, %dot_general3A_21 {dimension_numbers = #tpu.dot_dimension_numbers<[1], [0], [0], [1], [0, 0, 1, 1], [], []>, transpose_lhs_hint = false} : vector<19x32xf32>, vector<32x384xf32>, vector<19x384xf32> -> vector<19x384xf32>
    %get3A_23 = arith.constant 0 : index
    %get3A_24 = arith.constant 0 : index
    %get3A_25 = vector.load %arg2[%get3A_23, %get3A_24] : memref<85x1xi32, #tpu.memory_space<vmem>>, vector<85x1xi32>
    %iota3A = tpu.iota {dimensions = array<i32: 1>} : vector<85x8xi32>
    %eq3A = vector.broadcast %get3A_25 : vector<85x1xi32> to vector<85x8xi32>
    %eq3A_26 = arith.cmpi eq, %eq3A, %iota3A : vector<85x8xi32>
    %convert_element_type3A = arith.extui %eq3A_26 : vector<85x8xi1> to vector<85x8xi32>
    %convert_element_type3A_27 = arith.sitofp %convert_element_type3A : vector<85x8xi32> to vector<85x8xf32>
    %get3A_28 = arith.constant 0 : index
    %get3A_29 = arith.constant 0 : index
    %get3A_30 = vector.load %arg3[%get3A_28, %get3A_29] : memref<85x1xi32, #tpu.memory_space<vmem>>, vector<85x1xi32>
    %iota3A_31 = tpu.iota {dimensions = array<i32: 1>} : vector<85x19xi32>
    %eq3A_32 = vector.broadcast %get3A_30 : vector<85x1xi32> to vector<85x19xi32>
    %eq3A_33 = arith.cmpi eq, %eq3A_32, %iota3A_31 : vector<85x19xi32>
    %convert_element_type3A_34 = arith.extui %eq3A_33 : vector<85x19xi1> to vector<85x19xi32>
    %convert_element_type3A_35 = arith.sitofp %convert_element_type3A_34 : vector<85x19xi32> to vector<85x19xf32>
    %get3A_36 = arith.constant 0 : index
    %get3A_37 = arith.constant 0 : index
    %get3A_38 = vector.load %arg0[%get3A_36, %get3A_37] : memref<85x272xf32, #tpu.memory_space<vmem>>, vector<85x272xf32>
    %dot_general3A_39 = arith.constant dense<0.000000e+00> : vector<85x384xf32>
    %dot_general3A_40 = tpu.matmul %get3A_38, %get3A_1, %dot_general3A_39 {dimension_numbers = #tpu.dot_dimension_numbers<[1], [0], [0], [1], [0, 0, 1, 1], [], []>, transpose_lhs_hint = false} : vector<85x272xf32>, vector<272x384xf32>, vector<85x384xf32> -> vector<85x384xf32>
    %get3A_41 = arith.constant 0 : index
    %get3A_42 = arith.constant 0 : index
    %get3A_43 = vector.load %arg1[%get3A_41, %get3A_42] : memref<85x16xf32, #tpu.memory_space<vmem>>, vector<85x16xf32>
    %dot_general3A_44 = arith.constant dense<0.000000e+00> : vector<85x384xf32>
    %dot_general3A_45 = tpu.matmul %get3A_43, %get3A_7, %dot_general3A_44 {dimension_numbers = #tpu.dot_dimension_numbers<[1], [0], [0], [1], [0, 0, 1, 1], [], []>, transpose_lhs_hint = false} : vector<85x16xf32>, vector<16x384xf32>, vector<85x384xf32> -> vector<85x384xf32>
    %add3A = arith.addf %dot_general3A_40, %dot_general3A_45 : vector<85x384xf32>
    %dot_general3A_46 = arith.constant dense<0.000000e+00> : vector<85x384xf32>
    %dot_general3A_47 = tpu.matmul %convert_element_type3A_27, %dot_general3A_17, %dot_general3A_46 {dimension_numbers = #tpu.dot_dimension_numbers<[1], [0], [0], [1], [0, 0, 1, 1], [], []>, transpose_lhs_hint = false} : vector<85x8xf32>, vector<8x384xf32>, vector<85x384xf32> -> vector<85x384xf32>
    %add3A_48 = arith.addf %add3A, %dot_general3A_47 : vector<85x384xf32>
    %dot_general3A_49 = arith.constant dense<0.000000e+00> : vector<85x384xf32>
    %dot_general3A_50 = tpu.matmul %convert_element_type3A_35, %dot_general3A_22, %dot_general3A_49 {dimension_numbers = #tpu.dot_dimension_numbers<[1], [0], [0], [1], [0, 0, 1, 1], [], []>, transpose_lhs_hint = false} : vector<85x19xf32>, vector<19x384xf32>, vector<85x384xf32> -> vector<85x384xf32>
    %add3A_51 = arith.addf %add3A_48, %dot_general3A_50 : vector<85x384xf32>
    %get3A_52 = arith.constant 0 : index
    %get3A_53 = vector.load %arg8[%get3A_52] : memref<384xf32, #tpu.memory_space<vmem>>, vector<384xf32>
    %reshape3A = vector.shape_cast %get3A_53 : vector<384xf32> to vector<1x384xf32>
    %add3A_54 = vector.broadcast %reshape3A : vector<1x384xf32> to vector<85x384xf32>
    %add3A_55 = arith.addf %add3A_51, %add3A_54 : vector<85x384xf32>
    %get3A_56 = arith.constant 0 : index
    %get3A_57 = arith.constant 0 : index
    %get3A_58 = vector.load %arg6[%get3A_56, %get3A_57] : memref<3x32xf32, #tpu.memory_space<vmem>>, vector<3x32xf32>
    %dot_general3A_59 = arith.constant dense<0.000000e+00> : vector<3x384xf32>
    %dot_general3A_60 = tpu.matmul %get3A_58, %get3A_4, %dot_general3A_59 {dimension_numbers = #tpu.dot_dimension_numbers<[1], [0], [0], [1], [0, 0, 1, 1], [], []>, transpose_lhs_hint = false} : vector<3x32xf32>, vector<32x384xf32>, vector<3x384xf32> -> vector<3x384xf32>
    %slice3A = vector.extract_strided_slice %dot_general3A_60 {offsets = [0, 0], sizes = [1, 384], strides = [1, 1]} : vector<3x384xf32> to vector<1x384xf32>
    %add3A_61 = vector.broadcast %slice3A : vector<1x384xf32> to vector<85x384xf32>
    %add3A_62 = arith.addf %add3A_55, %add3A_61 : vector<85x384xf32>
    %neg3A = arith.constant 0.000000e+00 : f32
    %neg3A_63 = vector.broadcast %neg3A : f32 to vector<85x384xf32>
    %neg3A_64 = arith.subf %neg3A_63, %add3A_62 : vector<85x384xf32>
    %exp3A = math.exp %neg3A_64 : vector<85x384xf32>
    %add3A_65 = arith.constant 1.000000e+00 : f32
    %add3A_66 = vector.broadcast %add3A_65 : f32 to vector<85x384xf32>
    %add3A_67 = arith.addf %add3A_66, %exp3A : vector<85x384xf32>
    %div3A = arith.divf %add3A_62, %add3A_67 : vector<85x384xf32>
    %swap3A = arith.constant 0 : index
    %swap3A_68 = arith.constant 0 : index
    %swap3A_69 = vector.load %arg9[%swap3A, %swap3A_68] : memref<288x384xf32, #tpu.memory_space<vmem>>, vector<85x384xf32>
    tpu.vector_store %arg9[%swap3A, %swap3A_68], %div3A {strides = array<i32>} : memref<288x384xf32, #tpu.memory_space<vmem>>, vector<85x384xf32>,
    %slice3A_70 = vector.extract_strided_slice %dot_general3A_60 {offsets = [1, 0], sizes = [1, 384], strides = [1, 1]} : vector<3x384xf32> to vector<1x384xf32>
    %add3A_71 = vector.broadcast %slice3A_70 : vector<1x384xf32> to vector<85x384xf32>
    %add3A_72 = arith.addf %add3A_55, %add3A_71 : vector<85x384xf32>
    %neg3A_73 = arith.constant 0.000000e+00 : f32
    %neg3A_74 = vector.broadcast %neg3A_73 : f32 to vector<85x384xf32>
    %neg3A_75 = arith.subf %neg3A_74, %add3A_72 : vector<85x384xf32>
    %exp3A_76 = math.exp %neg3A_75 : vector<85x384xf32>
    %add3A_77 = arith.constant 1.000000e+00 : f32
    %add3A_78 = vector.broadcast %add3A_77 : f32 to vector<85x384xf32>
    %add3A_79 = arith.addf %add3A_78, %exp3A_76 : vector<85x384xf32>
    %div3A_80 = arith.divf %add3A_72, %add3A_79 : vector<85x384xf32>
    %swap3A_81 = arith.constant 96 : index
    %swap3A_82 = arith.constant 0 : index
    %swap3A_83 = vector.load %arg9[%swap3A_81, %swap3A_82] : memref<288x384xf32, #tpu.memory_space<vmem>>, vector<85x384xf32>
    tpu.vector_store %arg9[%swap3A_81, %swap3A_82], %div3A_80 {strides = array<i32>} : memref<288x384xf32, #tpu.memory_space<vmem>>, vector<85x384xf32>,
    %slice3A_84 = vector.extract_strided_slice %dot_general3A_60 {offsets = [2, 0], sizes = [1, 384], strides = [1, 1]} : vector<3x384xf32> to vector<1x384xf32>
    %add3A_85 = vector.broadcast %slice3A_84 : vector<1x384xf32> to vector<85x384xf32>
    %add3A_86 = arith.addf %add3A_55, %add3A_85 : vector<85x384xf32>
    %neg3A_87 = arith.constant 0.000000e+00 : f32
    %neg3A_88 = vector.broadcast %neg3A_87 : f32 to vector<85x384xf32>
    %neg3A_89 = arith.subf %neg3A_88, %add3A_86 : vector<85x384xf32>
    %exp3A_90 = math.exp %neg3A_89 : vector<85x384xf32>
    %add3A_91 = arith.constant 1.000000e+00 : f32
    %add3A_92 = vector.broadcast %add3A_91 : f32 to vector<85x384xf32>
    %add3A_93 = arith.addf %add3A_92, %exp3A_90 : vector<85x384xf32>
    %div3A_94 = arith.divf %add3A_86, %add3A_93 : vector<85x384xf32>
    %swap3A_95 = arith.constant 192 : index
    %swap3A_96 = arith.constant 0 : index
    %swap3A_97 = vector.load %arg9[%swap3A_95, %swap3A_96] : memref<288x384xf32, #tpu.memory_space<vmem>>, vector<85x384xf32>
    tpu.vector_store %arg9[%swap3A_95, %swap3A_96], %div3A_94 {strides = array<i32>} : memref<288x384xf32, #tpu.memory_space<vmem>>, vector<85x384xf32>,
    return
  }
}

module attributes {stable_mosaic.version = 14 : i64} {
  func.func @_edge_body(%arg0: i32, %arg1: memref<3x16000xf32, #tpu.memory_space<vmem>>, %arg2: memref<50x16000xf32, #tpu.memory_space<vmem>>, %arg3: memref<3x64xf32, #tpu.memory_space<vmem>>, %arg4: memref<1x64xf32, #tpu.memory_space<vmem>>, %arg5: memref<50x64xf32, #tpu.memory_space<vmem>>, %arg6: memref<1x64xf32, #tpu.memory_space<vmem>>, %arg7: memref<16000x128xf32, #tpu.memory_space<vmem>>) attributes {dimension_semantics = [#tpu.dimension_semantics<arbitrary>], iteration_bounds = array<i64: 20>, scalar_prefetch = 0 : i64, scratch_operands = 0 : i64, tpu.core_type = #tpu.core_type<tc>, window_params = [{transform_indices = @transform_0, window_bounds = array<i64: 3, 16000>}, {transform_indices = @transform_1, window_bounds = array<i64: 50, 16000>}, {pipeline_mode = #tpu.pipeline_mode<synchronous>, transform_indices = @transform_2, window_bounds = array<i64: 3, 64>}, {pipeline_mode = #tpu.pipeline_mode<synchronous>, transform_indices = @transform_3, window_bounds = array<i64: 1, 64>}, {pipeline_mode = #tpu.pipeline_mode<synchronous>, transform_indices = @transform_4, window_bounds = array<i64: 50, 64>}, {pipeline_mode = #tpu.pipeline_mode<synchronous>, transform_indices = @transform_5, window_bounds = array<i64: 1, 64>}, {transform_indices = @transform_6, window_bounds = array<i64: 16000, 128>}]} {
    %get3A = arith.constant 0 : index
    %get3A_0 = arith.constant 0 : index
    %get3A_1 = vector.load %arg1[%get3A, %get3A_0] : memref<3x16000xf32, #tpu.memory_space<vmem>>, vector<3x16000xf32>
    %get3A_2 = arith.constant 0 : index
    %get3A_3 = arith.constant 0 : index
    %get3A_4 = vector.load %arg3[%get3A_2, %get3A_3] : memref<3x64xf32, #tpu.memory_space<vmem>>, vector<3x64xf32>
    %dot_general3A = arith.constant dense<0.000000e+00> : vector<16000x64xf32>
    %dot_general3A_5 = tpu.matmul %get3A_1, %get3A_4, %dot_general3A {dimension_numbers = #tpu.dot_dimension_numbers<[0], [0], [1], [1], [0, 1, 1, 1], [], []>, transpose_lhs_hint = false} : vector<3x16000xf32>, vector<3x64xf32>, vector<16000x64xf32> -> vector<16000x64xf32>
    %get3A_6 = arith.constant 0 : index
    %get3A_7 = arith.constant 0 : index
    %get3A_8 = vector.load %arg4[%get3A_6, %get3A_7] : memref<1x64xf32, #tpu.memory_space<vmem>>, vector<1x64xf32>
    %add3A = vector.broadcast %get3A_8 : vector<1x64xf32> to vector<16000x64xf32>
    %add3A_9 = arith.addf %dot_general3A_5, %add3A : vector<16000x64xf32>
    %get3A_10 = arith.constant 0 : index
    %get3A_11 = arith.constant 0 : index
    %get3A_12 = vector.load %arg2[%get3A_10, %get3A_11] : memref<50x16000xf32, #tpu.memory_space<vmem>>, vector<50x16000xf32>
    %get3A_13 = arith.constant 0 : index
    %get3A_14 = arith.constant 0 : index
    %get3A_15 = vector.load %arg5[%get3A_13, %get3A_14] : memref<50x64xf32, #tpu.memory_space<vmem>>, vector<50x64xf32>
    %dot_general3A_16 = arith.constant dense<0.000000e+00> : vector<16000x64xf32>
    %dot_general3A_17 = tpu.matmul %get3A_12, %get3A_15, %dot_general3A_16 {dimension_numbers = #tpu.dot_dimension_numbers<[0], [0], [1], [1], [0, 1, 1, 1], [], []>, transpose_lhs_hint = false} : vector<50x16000xf32>, vector<50x64xf32>, vector<16000x64xf32> -> vector<16000x64xf32>
    %get3A_18 = arith.constant 0 : index
    %get3A_19 = arith.constant 0 : index
    %get3A_20 = vector.load %arg6[%get3A_18, %get3A_19] : memref<1x64xf32, #tpu.memory_space<vmem>>, vector<1x64xf32>
    %add3A_21 = vector.broadcast %get3A_20 : vector<1x64xf32> to vector<16000x64xf32>
    %add3A_22 = arith.addf %dot_general3A_17, %add3A_21 : vector<16000x64xf32>
    %neg3A = arith.constant 0.000000e+00 : f32
    %neg3A_23 = vector.broadcast %neg3A : f32 to vector<16000x64xf32>
    %neg3A_24 = arith.subf %neg3A_23, %add3A_9 : vector<16000x64xf32>
    %exp3A = math.exp %neg3A_24 : vector<16000x64xf32>
    %add3A_25 = arith.constant 1.000000e+00 : f32
    %add3A_26 = vector.broadcast %add3A_25 : f32 to vector<16000x64xf32>
    %add3A_27 = arith.addf %add3A_26, %exp3A : vector<16000x64xf32>
    %div3A = arith.divf %add3A_9, %add3A_27 : vector<16000x64xf32>
    %swap3A = arith.constant 0 : index
    %swap3A_28 = arith.constant 0 : index
    %swap3A_29 = vector.load %arg7[%swap3A, %swap3A_28] : memref<16000x128xf32, #tpu.memory_space<vmem>>, vector<16000x64xf32>
    tpu.vector_store %arg7[%swap3A, %swap3A_28], %div3A {strides = array<i32>} : memref<16000x128xf32, #tpu.memory_space<vmem>>, vector<16000x64xf32>,
    %neg3A_30 = arith.constant 0.000000e+00 : f32
    %neg3A_31 = vector.broadcast %neg3A_30 : f32 to vector<16000x64xf32>
    %neg3A_32 = arith.subf %neg3A_31, %add3A_22 : vector<16000x64xf32>
    %exp3A_33 = math.exp %neg3A_32 : vector<16000x64xf32>
    %add3A_34 = arith.constant 1.000000e+00 : f32
    %add3A_35 = vector.broadcast %add3A_34 : f32 to vector<16000x64xf32>
    %add3A_36 = arith.addf %add3A_35, %exp3A_33 : vector<16000x64xf32>
    %div3A_37 = arith.divf %add3A_22, %add3A_36 : vector<16000x64xf32>
    %swap3A_38 = arith.constant 0 : index
    %swap3A_39 = arith.constant 64 : index
    %swap3A_40 = vector.load %arg7[%swap3A_38, %swap3A_39] : memref<16000x128xf32, #tpu.memory_space<vmem>>, vector<16000x64xf32>
    tpu.vector_store %arg7[%swap3A_38, %swap3A_39], %div3A_37 {strides = array<i32>} : memref<16000x128xf32, #tpu.memory_space<vmem>>, vector<16000x64xf32>,
    return
  }
  func.func @transform_0(%arg0: i32) -> (i32, i32) {
    %c0_i32 = arith.constant 0 : i32
    %c0_i32_0 = arith.constant 0 : i32
    return %c0_i32, %arg0 : i32, i32
  }
  func.func @transform_1(%arg0: i32) -> (i32, i32) {
    %c0_i32 = arith.constant 0 : i32
    %c0_i32_0 = arith.constant 0 : i32
    return %c0_i32, %arg0 : i32, i32
  }
  func.func @transform_2(%arg0: i32) -> (i32, i32) {
    %c0_i32 = arith.constant 0 : i32
    %c0_i32_0 = arith.constant 0 : i32
    %c0_i32_1 = arith.constant 0 : i32
    return %c0_i32, %c0_i32_0 : i32, i32
  }
  func.func @transform_3(%arg0: i32) -> (i32, i32) {
    %c0_i32 = arith.constant 0 : i32
    %c0_i32_0 = arith.constant 0 : i32
    %c0_i32_1 = arith.constant 0 : i32
    return %c0_i32, %c0_i32_0 : i32, i32
  }
  func.func @transform_4(%arg0: i32) -> (i32, i32) {
    %c0_i32 = arith.constant 0 : i32
    %c0_i32_0 = arith.constant 0 : i32
    %c0_i32_1 = arith.constant 0 : i32
    return %c0_i32, %c0_i32_0 : i32, i32
  }
  func.func @transform_5(%arg0: i32) -> (i32, i32) {
    %c0_i32 = arith.constant 0 : i32
    %c0_i32_0 = arith.constant 0 : i32
    %c0_i32_1 = arith.constant 0 : i32
    return %c0_i32, %c0_i32_0 : i32, i32
  }
  func.func @transform_6(%arg0: i32) -> (i32, i32) {
    %c0_i32 = arith.constant 0 : i32
    %c0_i32_0 = arith.constant 0 : i32
    return %arg0, %c0_i32 : i32, i32
  }
}

</mosaic_0001>

<sc_bundles>
// kernel: kernel.5.cloned.1.call-start
scs
__scs_entry_jumppad:
0x0: {  	(pc) =	sbr.rel $0x88, $3  }
0x1: {  	(tag) =	ssettag $0x0;
	lr =	simm.s32 $0x1  }
0x2: {  	[smem:$0x3F90] =	sst lr;
	_ =	strace $0xD0000000  }
0x3: {  	_ = 	snop  }
0x4: {  	_ = 	snop  }
0x5: {  	_ = 	snop  }
0x6: {  	_ = 	snop  }
0x7: {  	_ = 	snop  }
__scs_overlays_trampoline_lowered:
0x8: {  	[smem:$0x3F9F] =	sst s0  }
0x9: {  	[smem:$0x3FA0] =	sst s1  }
0xa: {  	[smem:$0x3FA1] =	sst s2  }
0xb: {  	[smem:$0x3FA2] =	sst s3  }
0xc: {  	[smem:$0x3FA3] =	sst s4  }
0xd: {  	[smem:$0x3FA4] =	sst s5  }
0xe: {  	[smem:$0x3FA5] =	sst s6  }
0xf: {  	[smem:$0x3FA6] =	sst s7  }
0x10: {  	[smem:$0x3FA7] =	sst s8  }
0x11: {  	[smem:$0x3FA8] =	sst s9;
	s0 =	simm.s32 @!p0 $0x0  }
0x12: {  	s1 =	sld [smem:$0x3F8E];
	s0 =	simm.s32 @p0 $0x1  }
0x13: {  	[smem:$0x3FA9] =	sst s0;
	s0 =	simm.s32 @!p1 $0x0  }
0x14: {  	s2 =	sld [smem:$0x3F8D];
	s0 =	simm.s32 @p1 $0x1  }
0x15: {  	[smem:$0x3FAA] =	sst s0;
	s0 =	simm.s32 @!p2 $0x0  }
0x16: {  	s3 =	sld [smem:$0x3FDB];
	s0 =	simm.s32 @p2 $0x1  }
0x17: {  	s4 =	simm.s32 $0x1BF5;
	[smem:$0x3FAC] =	sst s0  }
0x18: {  	s0 =	sld [smem:$0x3F8F];
	_ =	swait.ge [sflag:s4], $0x0  }
0x19: {  	s7 =	sld [smem:$0x3F90]  }
0x1a: {  	s8 =	sadd.s32 $0xFFFFE003, lr  }
0x1b: {  	s9 =	sadd.s32 $0xFFFFFEF7, lr;
	s5 =	simm.s32 $0xFFFFFFFF;
	p2 =	slt.u32 s8, $0xFFFFF086  }
0x1c: {  	p1 =	slt.u32 s9, $0xF7A;
	s5 =	simm.s32 @!p2 $0x0  }
0x1d: {  	s5 =	simm.s32 @p1 $0x1;
	p0 =	seq.s32 s7, s2  }
0x1e: {  	s7 =	smul.u32 @!p0 $0xF7A, s2;
	p2 =	seq.s32 @!p0 s5, $0x0  }
0x1f: {  	s9 =	smul.u32 $0xF7A, s1;
	s8 =	simm.s32 @!p0 $0x1BF5;
	p2 =	por !p2, p0  }
0x20: {  	[sflag:s8] =	ssyncset.s32 @!p0 $0xFFFFF086;
	s6 =	sadd.s32 @!p0 s3, s7;
	s7 =	simm.s32 @!p0 $0x108  }
0x21: {  	s3 =	sadd.s32 s3, s9;
	s6 =	sadd.s32 @!p0 $0x88, s6;
	s7 =	simm.s32 @p2 $0x1082  }
0x22: {  	[simem:s7], [sflag:s8] =	dma.local @!p0 [hbm:s6], $0xF7A  }
0x23: {  	s9 =	sor.u32 $0xD0000000, s2;
	s6 =	simm.s32 $0x108;
	_ =	swait.ge @!p0 [sflag:s8], $0x0  }
0x24: {  	s3 =	sadd.s32 $0x88, s3;
	s6 =	simm.s32 @!p1 $0x1082;
	[sflag:s4] =	ssyncset.s32 $0xFFFFF086  }
0x25: {  	[simem:s6], [sflag:s4] =	dma.local [hbm:s3], $0xF7A  }
0x26: {  	[smem:$0x3F90] =	sst s1;
	(tag) =	ssettag s2;
	_ =	strace s9  }
0x27: {  	s1 =	sld [smem:$0x3FA0]  }
0x28: {  	s2 =	sld [smem:$0x3FA1]  }
0x29: {  	s4 =	sld [smem:$0x3FA3]  }
0x2a: {  	p0 =	seq.s32 s5, $0x0;
	s5 =	sld [smem:$0x3FA4]  }
0x2b: {  	s6 =	sld [smem:$0x3FA5]  }
0x2c: {  	s7 =	sld [smem:$0x3FA6]  }
0x2d: {  	s3 =	simm.s32 $0x108;
	s8 =	sld [smem:$0x3FA7]  }
0x2e: {  	s3 =	simm.s32 @!p0 $0x1082;
	s9 =	sld [smem:$0x3FA8]  }
0x2f: {  	lr =	sadd.s32 s0, s3;
	s0 =	sld [smem:$0x3F9F]  }
0x30: {  	s3 =	sld [smem:$0x3FA2]  }
0x31: {  	[smem:$0x3FAB] =	sst s10  }
0x32: {  	s10 =	sld [smem:$0x3FA9];
	_ =	sdelay $0x3  }
0x33: {  	p0 =	seq.s32 s10, $0x1;
	s10 =	sld [smem:$0x3FAB];
	_ =	sdelay $0x3  }
0x34: {  	[smem:$0x3FAB] =	sst s10  }
0x35: {  	s10 =	sld [smem:$0x3FAA];
	_ =	sdelay $0x3  }
0x36: {  	p1 =	seq.s32 s10, $0x1;
	s10 =	sld [smem:$0x3FAB];
	_ =	sdelay $0x3  }
0x37: {  	[smem:$0x3FAB] =	sst s10  }
0x38: {  	s10 =	sld [smem:$0x3FAC]  }
0x39: {  	_ = 	snop;
	(pc) =	sbr.ind lr, $3  }
0x3a: {  	_ = 	snop  }
0x3b: {  	_ = 	snop  }
0x3c: {  	p2 =	seq.s32 s10, $0x1;
	s10 =	sld [smem:$0x3FAB]  }
0x3d: {  	_ =	shalt  }
0x3e: {  	_ =	shalt  }
0x3f: {  	_ =	shalt  }
0x40: {  	_ =	shalt  }
0x41: {  	_ =	shalt  }
0x42: {  	_ =	shalt  }
0x43: {  	_ =	shalt  }
0x44: {  	_ =	shalt  }
0x45: {  	_ =	shalt  }
0x46: {  	_ =	shalt  }
0x47: {  	_ =	shalt  }
0x48: {  	_ =	shalt  }
0x49: {  	_ =	shalt  }
0x4a: {  	_ =	shalt  }
0x4b: {  	_ =	shalt  }
0x4c: {  	_ =	shalt  }
0x4d: {  	_ =	shalt  }
0x4e: {  	_ =	shalt  }
0x4f: {  	_ =	shalt  }
0x50: {  	_ =	shalt  }
0x51: {  	_ =	shalt  }
0x52: {  	_ =	shalt  }
0x53: {  	_ =	shalt  }
0x54: {  	_ =	shalt  }
0x55: {  	_ =	shalt  }
0x56: {  	_ =	shalt  }
0x57: {  	_ =	shalt  }
0x58: {  	_ =	shalt  }
0x59: {  	_ =	shalt  }
0x5a: {  	_ =	shalt  }
0x5b: {  	_ =	shalt  }
0x5c: {  	_ =	shalt  }
0x5d: {  	_ =	shalt  }
0x5e: {  	_ =	shalt  }
0x5f: {  	_ =	shalt  }
0x60: {  	_ =	shalt  }
0x61: {  	_ =	shalt  }
0x62: {  	_ =	shalt  }
0x63: {  	_ =	shalt  }
0x64: {  	_ =	shalt  }
0x65: {  	_ =	shalt  }
0x66: {  	_ =	shalt  }
0x67: {  	_ =	shalt  }
0x68: {  	_ =	shalt  }
0x69: {  	_ =	shalt  }
0x6a: {  	_ =	shalt  }
0x6b: {  	_ =	shalt  }
0x6c: {  	_ =	shalt  }
0x6d: {  	_ =	shalt  }
0x6e: {  	_ =	shalt  }
0x6f: {  	_ =	shalt  }
0x70: {  	_ =	shalt  }
0x71: {  	_ =	shalt  }
0x72: {  	_ =	shalt  }
0x73: {  	_ =	shalt  }
0x74: {  	_ =	shalt  }
0x75: {  	_ =	shalt  }
0x76: {  	_ =	shalt  }
0x77: {  	_ =	shalt  }
0x78: {  	_ =	shalt  }
0x79: {  	_ =	shalt  }
0x7a: {  	_ =	shalt  }
0x7b: {  	_ =	shalt  }
0x7c: {  	_ =	shalt  }
0x7d: {  	_ =	shalt  }
0x7e: {  	_ =	shalt  }
0x7f: {  	_ =	shalt  }
0x80: {  	_ =	shalt  }
0x81: {  	_ =	shalt  }
0x82: {  	_ =	shalt  }
0x83: {  	_ =	shalt  }
0x84: {  	_ =	shalt  }
0x85: {  	_ =	shalt  }
0x86: {  	_ =	shalt  }
0x87: {  	_ =	shalt  }
.Lfunc_end0:
.L_simem_size_0:
called_computation_lowered:
.L_overlay_start_0:
0x88: {  	s2 =	sld [smem:$0x3FD9]  }
0x89: {  	s3 =	sld [smem:$0x3FFE];
	_ =	sdelay $0x1  }
0x8a: {  	s1 =	srdreg.scid  }
0x8b: {  	s0 =	sand.u32 $0x1, s1  }
0x8c: {  	s14 =	sshll.u32 s0, $0xA;
	s2 =	sadd.s32 s3, s2  }
0x8d: {  	s2 =	sadd.s32 s2, s14  }
0x8e: {  	[smem:$0x3FB7] =	sst s2  }
0x8f: {  	_ = 	snop  }
0x90: {  	s2 =	sld [smem:$0x3FD0];
	_ =	sdelay $0x1  }
0x91: {  	s15 =	sld [smem:$0x3FC9]  }
0x92: {  	s5 =	simm.s32 $0xA;
	s6 =	simm.s32 $0x10;
	s4 =	sld [smem:$0x3FC6]  }
0x93: {  	[smem:s6], [sflag:s5] =	dma.local [hbm:s2], $0x1  }
0x94: {  	_ =	swait.eq [sflag:s5], $0x1  }
0x95: {  	[sflag:s5] =	ssyncset.done $0x0  }
0x96: {  	[sflag:s5] =	ssyncadd.s32 $0xFFFFFFFF  }
0x97: {  	s16 =	sld [smem:$0x10];
	(tm) =	ssettm $0x1  }
0x98: {  	s17 =	sld [smem:$0x3FFB];
	_ =	sdelay $0x3  }
0x99: {  	_ =	strace s17  }
0x9a: {  	s5 =	sld [smem:$0x3FFC];
	_ =	sdelay $0x3  }
0x9b: {  	_ =	strace s5  }
0x9c: {  	s5 =	sld [smem:$0x3FFD];
	_ =	sdelay $0x3  }
0x9d: {  	_ =	strace s5  }
0x9e: {  	_ =	strace $0x8FFFFFFF  }
0x9f: {  	s18 =	sld [smem:$0x3FDB];
	_ =	sdelay $0x1  }
0xa0: {  	s19 =	simm.s32 $_scs_section_size  }
0xa1: {  	s7 =	simm.s32 $_size__tile_overlayer_lowered;
	s8 =	simm.s32 $_tile_overlayer_lowered  }
0xa2: {  	s22 =	simm.s32 $0x1BFF;
	s21 =	sshll.u32 s8, $0x1;
	s5 =	sadd.s32 s19, s18  }
0xa3: {  	s9 =	simm.s32 $0x0;
	s20 =	sshll.u32 s7, $0x1;
	s7 =	sadd.s32 s21, s5  }
0xa4: {  	[timem:s9], [sflag:s22] =	dma.local [hbm:s7], s20  }
0xa5: {  	_ =	swait.ge [sflag:s22], s20  }
0xa6: {  	s6 =	ssub.s32 $0x0, s20;
	[sflag:s22] =	ssyncset.done $0x0  }
0xa7: {  	[sflag:s22] =	ssyncadd.s32 s6;
	_ =	sdelay $0x1  }
0xa8: {  	s23 =	simm.s32 $0x1B8B  }
0xa9: {  	_ =	swait.ge [sflag:s23], $0x1  }
0xaa: {  	[sflag:s23] =	ssyncset.done $0x0  }
0xab: {  	s25 =	simm.s32 $0x1B8E;
	s24 =	sld [smem:$0x3FFE];
	[sflag:s23] =	ssyncadd.s32 $0xFFFFFFFF  }
0xac: {  	s26 =	simm.s32 $execute0_lowered;
	[smem:$0x3FD2] =	sst s25  }
0xad: {  	s7 =	sshll.u32 s26, $0x1;
	_ =	strace $0x80000046;
	[dreg:$0x1] =	wrdreg $0xFFFFFFFF  }
0xae: {  	s28 =	simm.s32 $_size_execute0_lowered;
	s5 =	sadd.s32 s5, s7;
	[dreg:$0x0] =	wrdreg $0x0  }
0xaf: {  	s7 =	sshll.u32 s28, $0x1;
	[dreg:$0x2] =	wrdreg s5  }
0xb0: {  	[dreg:$0x3] =	wrdreg s7  }
0xb1: {  	[dreg:$0x4] =	wrdreg $0xC0  }
0xb2: {  	_ =	task [dreg:s9], $0x5FFFF  }
0xb3: {  	[dreg:$0x1] =	wrdreg $0xFFFFFFFF  }
0xb4: {  	[dreg:$0x0] =	wrdreg $0x60  }
0xb5: {  	[dreg:$0x2] =	wrdreg s24  }
0xb6: {  	[dreg:$0x3] =	wrdreg s15  }
0xb7: {  	[dreg:$0x4] =	wrdreg s4  }
0xb8: {  	[dreg:$0x5] =	wrdreg s16  }
0xb9: {  	[dreg:$0x6] =	wrdreg $0x9  }
0xba: {  	_ =	task.clear_ibuf [dreg:s9], $0x7FFFF;
	_ =	strace $0x90000046  }
0xbb: {  	s29 =	simm.s32 $0x9;
	_ =	strace $0x80000048  }
0xbc: {  	_ =	swait.ge [sflag:s29], $0x1  }
0xbd: {  	[sflag:s29] =	ssyncadd.s32 $0xFFFFFFFF  }
0xbe: {  	_ =	strace $0x90000048  }
0xbf: {  	_ =	sfence  }
0xc0: {  	s30 =	sld [smem:$0x0];
	_ =	sdelay $0x2  }
0xc1: {  	s31 =	sshll.u32 s1, $0xD;
	s1 =	sshrl.u32 s1, $0x2  }
0xc2: {  	s3 =	sand.u32 $0x4000, s31;
	s1 =	sadd.s32 s1, s30  }
0xc3: {  	s0 =	sor.u32 s3, s0;
	s1 =	sshll.u32 s1, $0x11  }
0xc4: {  	s0 =	sor.u32 s1, s0  }
0xc5: {  	s0 =	sadd.s32 $0x8F2B, s0  }
0xc6: {  	[sflag:s0] =	ssyncadd.remote.s32 $0x1  }
0xc7: {  	_ =	sfence.sel $0xFFFF  }
0xc8: {  	[dreg:$0x0] =	wrdreg $0xFFFFFFFF;
	(pc) =	sbr.abs _section_cstart, $3  }
0xc9: {  	[dreg:$0x1] =	wrdreg $0xFFFFFFFF  }
0xca: {  	_ =	task.clear_ibuf [dreg:s9], $0x2FFFF;
	_ =	strace $0x9FFFFFFF  }
0xcb: {  	(tm) =	ssettm $0x7FFFFFFF  }
tec
execute0_lowered:
.L_overlay_start_1:
0x0: {  	(tag) =	ssettag $0x1  }
0x1: {  	s6 =	rddreg [dreg:$0x0]  }
0x2: {  	s4 =	rddreg [dreg:$0x1]  }
0x3: {  	s5 =	rddreg [dreg:$0x2]  }
0x4: {  	s7 =	rddreg [dreg:$0x3]  }
0x5: {  	s0 =	rddreg [dreg:$0x4];
	s1 =	simm.s32 $0x0  }
0x6: {  	s2 =	simm.s32 $0x500;
	[smem:$0x7FF] =	sst s1  }
0x7: {  	s14 =	simm.s32 $0xD00;
	_ =	strace $0x80000047;
	[dreg:$0x5] =	wrdreg s2  }
0x8: {  	s15 =	simm.s32 $0x1100;
	[dreg:$0x6] =	wrdreg s14  }
0x9: {  	s16 =	simm.s32 $0x1900;
	[dreg:$0x7] =	wrdreg s15  }
0xa: {  	s17 =	simm.s32 $0x1D00;
	[dreg:$0x8] =	wrdreg s16  }
0xb: {  	s18 =	simm.s32 $0x2500;
	[dreg:$0x9] =	wrdreg s17  }
0xc: {  	s19 =	simm.s32 $0x2900;
	[dreg:$0xa] =	wrdreg s18  }
0xd: {  	s20 =	simm.s32 $0x3100;
	[dreg:$0xb] =	wrdreg s19  }
0xe: {  	s21 =	simm.s32 $0x3500;
	[dreg:$0xc] =	wrdreg s20  }
0xf: {  	s22 =	simm.s32 $0x3D00;
	[dreg:$0xd] =	wrdreg s21  }
0x10: {  	s23 =	simm.s32 $0x4100;
	[dreg:$0xe] =	wrdreg s22  }
0x11: {  	s24 =	simm.s32 $0x4900;
	[dreg:$0xf] =	wrdreg s23  }
0x12: {  	s25 =	simm.s32 $0x4D00;
	[dreg:$0x10] =	wrdreg s24  }
0x13: {  	s26 =	simm.s32 $0x5500;
	[dreg:$0x11] =	wrdreg s25  }
0x14: {  	s28 =	simm.s32 $0x5900;
	[dreg:$0x12] =	wrdreg s26  }
0x15: {  	s29 =	simm.s32 $0x6100;
	[dreg:$0x13] =	wrdreg s28  }
0x16: {  	s30 =	simm.s32 $0x6500;
	[dreg:$0x14] =	wrdreg s29  }
0x17: {  	s31 =	simm.s32 $0x6D00;
	[dreg:$0x15] =	wrdreg s30  }
0x18: {  	s3 =	simm.s32 $0x7100;
	[dreg:$0x16] =	wrdreg s31  }
0x19: {  	s8 =	simm.s32 $0x7900;
	[dreg:$0x17] =	wrdreg s3  }
0x1a: {  	s9 =	simm.s32 $0x7D00;
	[dreg:$0x18] =	wrdreg s8  }
0x1b: {  	s10 =	simm.s32 $0x8500;
	[dreg:$0x19] =	wrdreg s9  }
0x1c: {  	s11 =	simm.s32 $0x8900;
	[dreg:$0x1a] =	wrdreg s10  }
0x1d: {  	s12 =	simm.s32 $0x9100;
	[dreg:$0x1b] =	wrdreg s11  }
0x1e: {  	s13 =	simm.s32 $0x9500;
	[dreg:$0x1c] =	wrdreg s12  }
0x1f: {  	[dreg:$0x1d] =	wrdreg s13;
	s14 =	simm.s32 $0x9D00  }
0x20: {  	s15 =	simm.s32 $0xA100;
	[dreg:$0x1e] =	wrdreg s14  }
0x21: {  	s16 =	simm.s32 $0xA900;
	[dreg:$0x1f] =	wrdreg s15  }
0x22: {  	s17 =	simm.s32 $0xAD00;
	[smem:$0x7D7] =	sst s16  }
0x23: {  	s18 =	simm.s32 $0xB500;
	[smem:$0x7D8] =	sst s17  }
0x24: {  	s19 =	simm.s32 $0xB900;
	[smem:$0x7D9] =	sst s18  }
0x25: {  	s20 =	simm.s32 $0xC100;
	[smem:$0x7DA] =	sst s19  }
0x26: {  	s21 =	simm.s32 $0xC500;
	[smem:$0x7DB] =	sst s20  }
0x27: {  	s22 =	simm.s32 $0xCD00;
	[smem:$0x7DC] =	sst s21  }
0x28: {  	s23 =	simm.s32 $0xD100;
	[smem:$0x7DD] =	sst s22  }
0x29: {  	s24 =	simm.s32 $0xD900;
	[smem:$0x7DE] =	sst s23  }
0x2a: {  	s25 =	simm.s32 $0xDD00;
	[smem:$0x7DF] =	sst s24  }
0x2b: {  	s26 =	simm.s32 $0xE500;
	[smem:$0x7E0] =	sst s25  }
0x2c: {  	s28 =	simm.s32 $0xE900;
	[smem:$0x7E1] =	sst s26  }
0x2d: {  	s29 =	simm.s32 $0xF100;
	[smem:$0x7E2] =	sst s28  }
0x2e: {  	s30 =	simm.s32 $0xF500;
	[smem:$0x7E3] =	sst s29  }
0x2f: {  	s31 =	simm.s32 $0xFD00;
	[smem:$0x7E4] =	sst s30  }
0x30: {  	s3 =	simm.s32 $0x10100;
	[smem:$0x7E5] =	sst s31  }
0x31: {  	s8 =	simm.s32 $0x10900;
	[smem:$0x7E6] =	sst s3  }
0x32: {  	s9 =	simm.s32 $0x11500;
	[smem:$0x7E7] =	sst s8  }
0x33: {  	s10 =	simm.s32 $0x12100;
	[smem:$0x7E9] =	sst s9  }
0x34: {  	s11 =	simm.s32 $0x12500;
	[smem:$0x7EB] =	sst s10  }
0x35: {  	s12 =	simm.s32 $0x12D00;
	[smem:$0x7EC] =	sst s11  }
0x36: {  	s13 =	simm.s32 $0x13100;
	[smem:$0x7ED] =	sst s12  }
0x37: {  	s3 =	simm.s32 $0x10D00;
	[smem:$0x7EE] =	sst s13  }
0x38: {  	s9 =	simm.s32 $0x11900;
	[smem:$0x7E8] =	sst s3  }
0x39: {  	s14 =	simm.s32 $0x13900;
	[smem:$0x7EA] =	sst s9  }
0x3a: {  	s16 =	simm.s32 $0x13D00;
	[smem:$0x7EF] =	sst s14  }
0x3b: {  	s17 =	simm.s32 $0x14500;
	[smem:$0x7F0] =	sst s16  }
0x3c: {  	s19 =	simm.s32 $0x14900;
	[smem:$0x7F1] =	sst s17  }
0x3d: {  	s20 =	simm.s32 $0x15100;
	[smem:$0x7F2] =	sst s19  }
0x3e: {  	s21 =	simm.s32 $0x15500;
	[smem:$0x7F3] =	sst s20  }
0x3f: {  	s2 =	sadd.s32 $0x1C00, s6;
	s22 =	simm.s32 $0x15D00;
	[smem:$0x7F4] =	sst s21  }
0x40: {  	s6 =	sadd.s32 $0x1D00, s6;
	s23 =	simm.s32 $0x16100;
	[smem:$0x7F5] =	sst s22  }
0x41: {  	s8 =	srdreg.scid;
	s24 =	simm.s32 $0x16900;
	[smem:$0x7F6] =	sst s23  }
0x42: {  	s25 =	simm.s32 $0x16D00;
	s26 =	simm.s32 $0x17500;
	[smem:$0x7F7] =	sst s24  }
0x43: {  	s28 =	simm.s32 $0x17900;
	s29 =	simm.s32 $0x18100;
	[smem:$0x7F8] =	sst s25  }
0x44: {  	s30 =	simm.s32 $0x18500;
	s31 =	simm.s32 $0x18D00;
	[smem:$0x7F9] =	sst s26  }
0x45: {  	s13 =	simm.s32 $0x1A500;
	s8 =	sand.u32 $0x1, s8;
	[smem:$0x7FA] =	sst s28  }
0x46: {  	s3 =	stileid.u32;
	[smem:$0x7FB] =	sst s29;
	s10 =	ssub.s32 $0x2, s8  }
0x47: {  	[smem:$0x7FC] =	sst s30;
	s15 =	sshll.u32 s3, $0x1;
	s11 =	sshrl.u32 s10, $0x1  }
0x48: {  	[smem:$0x7FD] =	sst s31;
	s10 =	ssub.s32 s10, s11;
	s11 =	sor.u32 s8, s15  }
0x49: {  	s14 =	simm.s32 $0x1A900;
	s18 =	smul.u32 $0x130, s11;
	s12 =	smin.u32 s11, $0x11  }
0x4a: {  	s16 =	simm.s32 $0x1B500;
	s17 =	simm.s32 $0x1BD00;
	s12 =	sshll.u32 s12, $0x4  }
0x4b: {  	s19 =	simm.s32 $0x1C900;
	s15 =	simm.s32 $0x1B100;
	s9 =	sadd.s32 s18, s12  }
0x4c: {  	s8 =	smax.u32 s10, $0x1;
	p0 =	sgt.u32 s11, $0x10;
	s9 =	sshrl.u32 s9, $0x3  }
0x4d: {  	v2 =	vlaneseq.u32;
	vm0 =	vmmov $0xffff;
	vm1 =	vmmov $0xff;
	s4 =	sadd.s32 s4, s9;
	s5 =	sadd.s32 s5, s9;
	s9 =	smul.u32 $0x180, s9  }
0x4e: {  	v0 =	vand.u32 $0x7, v2;
	v1 =	vshrl.u32 v2, $0x3;
	v2 =	vor.u32 $0x8, v2;
	s10 =	simm.s32 $0x19100;
	s11 =	simm.s32 $0x19900;
	s12 =	simm.s32 $0x19D00  }
0x4f: {  	v1 =	vmul.u32 $0x8, v1;
	vm2 =	vmmov @!p0 $0xffff;
	vm3 =	vmmov @!p0 $0xff;
	s18 =	simm.s32 $0x1C100;
	s7 =	sadd.s32 s7, s9;
	s9 =	simm.s32 $0x1  }
.LBB2_1:
0x50: {  	s23 =	simm.s32 @p0 $0x0;
	s22 =	simm.s32 @p0 $0x2  }
0x51: {  	[tilespmem:s23], [sflag:$0x2] =	stream.linear.gather @p0 [hbm4b:s4+s23], $0x130, $0x38;
	[tilespmem:$0x1E500] =	vst v63  }
0x52: {  	_ =	swait.ge @p0 [sflag:s22], $0x130  }
0x53: {  	[sflag:s22] =	ssyncset.done @p0 $0x0  }
0x54: {  	s20 =	simm.s32 @p0 $0x180;
	[sflag:s22] =	ssyncadd.s32 @p0 $0xFFFFFED0  }
0x55: {  	[tilespmem:s20], [sflag:$0x2] =	stream.linear.gather @p0 [hbm4b:s5+s23], $0x130, $0x38;
	[tilespmem:$0x1E500] =	vst v63  }
0x56: {  	_ =	swait.ge @p0 [sflag:s22], $0x130  }
0x57: {  	[sflag:s22] =	ssyncset.done @p0 $0x0  }
0x58: {  	s21 =	simm.s32 @!p0 $0x0;
	s20 =	simm.s32 @!p0 $0x2;
	[sflag:s22] =	ssyncadd.s32 @p0 $0xFFFFFED0  }
0x59: {  	[tilespmem:s21], [sflag:$0x2] =	stream.linear.gather @!p0 [hbm4b:s4+s21], $0x140, $0x38;
	[tilespmem:$0x1E500] =	vst v63  }
0x5a: {  	_ =	swait.ge @!p0 [sflag:s20], $0x140  }
0x5b: {  	[sflag:s20] =	ssyncset.done @!p0 $0x0  }
0x5c: {  	s24 =	simm.s32 @!p0 $0x180;
	[sflag:s20] =	ssyncadd.s32 @!p0 $0xFFFFFEC0  }
0x5d: {  	[tilespmem:s24], [sflag:$0x2] =	stream.linear.gather @!p0 [hbm4b:s5+s21], $0x140, $0x38;
	[tilespmem:$0x1E500] =	vst v63  }
0x5e: {  	_ =	swait.ge @!p0 [sflag:s20], $0x140  }
0x5f: {  	[sflag:s20] =	ssyncset.done @!p0 $0x0  }
0x60: {  	[sflag:s20] =	ssyncadd.s32 @!p0 $0xFFFFFEC0  }
0x61: {  	v3 =	vld [tilespmem:$0x0]  }
0x62: {  	v4 =	vld [tilespmem:$0x180]  }
0x63: {  	v5 =	vld [tilespmem:$0x10]  }
0x64: {  	v6 =	vld [tilespmem:$0x190]  }
0x65: {  	v7 =	vld [tilespmem:$0x20]  }
0x66: {  	v8 =	vld [tilespmem:$0x1A0]  }
0x67: {  	v9 =	vld [tilespmem:$0x30]  }
0x68: {  	v10 =	vld [tilespmem:$0x1B0]  }
0x69: {  	v11 =	vld [tilespmem:$0x40]  }
0x6a: {  	v12 =	vld [tilespmem:$0x1C0]  }
0x6b: {  	v13 =	vld [tilespmem:$0x50]  }
0x6c: {  	v14 =	vld [tilespmem:$0x1D0]  }
0x6d: {  	v15 =	vld [tilespmem:$0x60]  }
0x6e: {  	v16 =	vld [tilespmem:$0x1E0]  }
0x6f: {  	v17 =	vld [tilespmem:$0x70]  }
0x70: {  	v18 =	vld [tilespmem:$0x1F0]  }
0x71: {  	v19 =	vld [tilespmem:$0x80]  }
0x72: {  	v20 =	vld [tilespmem:$0x200]  }
0x73: {  	v21 =	vld [tilespmem:$0x90]  }
0x74: {  	v22 =	vld [tilespmem:$0x210]  }
0x75: {  	v23 =	vld [tilespmem:$0xA0]  }
0x76: {  	v24 =	vld [tilespmem:$0x220]  }
0x77: {  	v25 =	vld [tilespmem:$0xB0]  }
0x78: {  	v26 =	vld [tilespmem:$0x230];
	v6 =	vmul.u32 $0x60, v6  }
0x79: {  	v27 =	vld [tilespmem:$0xC0];
	v8 =	vmul.u32 $0x60, v8  }
0x7a: {  	v41 =	vld [tilespmem:$0x240];
	v40 =	vmul.u32 $0x60, v10;
	v5 =	vadd.s32 v5, v6  }
0x7b: {  	v44 =	vld [tilespmem:$0xD0];
	v43 =	vmul.u32 $0x60, v12;
	v42 =	vadd.s32 v7, v8;
	[tilespmem:$0x310] =	vst v5  }
0x7c: {  	v47 =	vld [tilespmem:$0x250];
	v46 =	vmul.u32 $0x60, v14;
	v45 =	vadd.s32 v9, v40;
	[tilespmem:$0x320] =	vst v42  }
0x7d: {  	v50 =	vld [tilespmem:$0xE0];
	v49 =	vmul.u32 $0x60, v16;
	v48 =	vadd.s32 v11, v43;
	[tilespmem:$0x330] =	vst v45  }
0x7e: {  	v53 =	vld [tilespmem:$0x260];
	v52 =	vmul.u32 $0x60, v18;
	v51 =	vadd.s32 v13, v46;
	[tilespmem:$0x340] =	vst v48  }
0x7f: {  	v59 =	vld [tilespmem:$0x270];
	v55 =	vmul.u32 $0x60, v20;
	v54 =	vadd.s32 v15, v49;
	[tilespmem:$0x380] =	vst v51  }
0x80: {  	v56 =	vld [tilespmem:$0xF0];
	v58 =	vmul.u32 $0x60, v22;
	v57 =	vadd.s32 v17, v52;
	[tilespmem:$0x390] =	vst v54  }
0x81: {  	v61 =	vld [tilespmem:$0x100];
	v4 =	vmul.u32 $0x60, v4;
	v60 =	vadd.s32 v19, v55;
	[tilespmem:$0x3A0] =	vst v57  }
0x82: {  	v30 =	vld [tilespmem:$0x2B0];
	v63 =	vmul.u32 $0x60, v24;
	v62 =	vadd.s32 v21, v58;
	[tilespmem:$0x3B0] =	vst v60  }
0x83: {  	v20 =	vld [tilespmem:$0x280];
	v10 =	vmul.u32 $0x60, v41;
	v29 =	vmul.u32 $0x60, v53;
	v4 =	vadd.s32 v3, v4;
	[tilespmem:$0x3C0] =	vst v62  }
0x84: {  	v24 =	vld [tilespmem:$0x290];
	v32 =	vmul.u32 $0x60, v59;
	v6 =	vadd.s32 v23, v63;
	[tilespmem:$0x300] =	vst v4;
	v4 =	vshrl.u32 v4, $0x3  }
0x85: {  	v22 =	vld [tilespmem:$0x110];
	v21 =	vmul.u32 $0x60, v26;
	v28 =	vadd.s32 v27, v10;
	[tilespmem:$0x400] =	vst v6;
	v4 =	vmul.u32 $0x18, v4  }
0x86: {  	v26 =	vld [tilespmem:$0x2A0];
	v3 =	vand.u32 $0x7, v3;
	v34 =	vadd.s32 v50, v29;
	v38 =	vadd.s32 v56, v32;
	[tilespmem:$0x420] =	vst v28  }
0x87: {  	v36 =	vld [tilespmem:$0x130];
	[tilespmem:$0x440] =	vst v34;
	v5 =	vadd.s32 v25, v21;
	v25 =	vmul.u32 $0x60, v47;
	v3 =	vor.u32 v3, v4  }
0x88: {  	v33 =	vld [tilespmem:$0x120];
	[tilespmem:$0x480] =	vst v38;
	v35 =	vmul.u32 $0x60, v20;
	v37 =	vperm.xlane v3, v0  }
0x89: {  	[tilespmem:$0x410] =	vst v5;
	v39 =	vmul.u32 $0x60, v24;
	v31 =	vadd.s32 v44, v25  }
0x8a: {  	v44 =	vmul.u32 $0x60, v30;
	[tilespmem:$0x430] =	vst v31;
	v40 =	vadd.s32 v61, v35;
	v42 =	vadd.s32 v1, v37  }
0x8b: {  	v41 =	vmul.u32 $0x60, v26;
	v43 =	vadd.s32 v22, v39;
	[tilespmem:$0x490] =	vst v40  }
0x8c: {  	v3 =	vperm.xlane v3, v2;
	[tilespmem:$0x4A0] =	vst v43;
	v45 =	vadd.s32 v36, v44  }
0x8d: {  	v4 =	vadd.s32 v33, v41;
	[tilespmem:$0x4C0] =	vst v45  }
0x8e: {  	s31 =	rddreg [dreg:$0x5];
	v3 =	vadd.s32 v1, v3;
	[tilespmem:$0x4B0] =	vst v4  }
0x8f: {  	[tilespmem:s31], [sflag:$0x1] =	stream.indirect_vreg.gather [hbm4b:s2+s1], $0x80, v42, vm0, $0xb8;
	[tilespmem:$0x1E500] =	vst v63  }
0x90: {  	s25 =	rddreg [dreg:$0x6]  }
0x91: {  	[tilespmem:s25], [sflag:$0x1] =	stream.indirect_vreg.gather [hbm4b:s6+s1], $0x80, v42, vm1, $0xb8;
	[tilespmem:$0x1E500] =	vst v63  }
0x92: {  	s26 =	rddreg [dreg:$0x7]  }
0x93: {  	[tilespmem:s26], [sflag:$0x1] =	stream.indirect_vreg.gather [hbm4b:s2+s1], $0x80, v3, vm0, $0xb8;
	[tilespmem:$0x1E500] =	vst v63  }
0x94: {  	s28 =	rddreg [dreg:$0x8]  }
0x95: {  	[tilespmem:s28], [sflag:$0x1] =	stream.indirect_vreg.gather [hbm4b:s6+s1], $0x80, v3, vm1, $0xb8;
	[tilespmem:$0x1E500] =	vst v63  }
0x96: {  	v3 =	vld [tilespmem:$0x310];
	_ =	sdelay $0x4  }
0x97: {  	v46 =	vshrl.u32 v3, $0x3  }
0x98: {  	v4 =	vmul.u32 $0x18, v46  }
0x99: {  	v3 =	vand.u32 $0x7, v3  }
0x9a: {  	v3 =	vor.u32 v3, v4  }
0x9b: {  	v4 =	vperm.xlane v3, v0;
	_ =	sdelay $0x1  }
0x9c: {  	v4 =	vadd.s32 v1, v4;
	_ =	sdelay $0x1  }
0x9d: {  	v3 =	vperm.xlane v3, v2;
	_ =	sdelay $0x1  }
0x9e: {  	s29 =	rddreg [dreg:$0x9];
	v3 =	vadd.s32 v1, v3  }
0x9f: {  	[tilespmem:s29], [sflag:$0x1] =	stream.indirect_vreg.gather [hbm4b:s2+s1], $0x80, v4, vm0, $0xb8;
	[tilespmem:$0x1E500] =	vst v63  }
0xa0: {  	s30 =	rddreg [dreg:$0xa]  }
0xa1: {  	[tilespmem:s30], [sflag:$0x1] =	stream.indirect_vreg.gather [hbm4b:s6+s1], $0x80, v4, vm1, $0xb8;
	[tilespmem:$0x1E500] =	vst v63  }
0xa2: {  	s31 =	rddreg [dreg:$0xb]  }
0xa3: {  	[tilespmem:s31], [sflag:$0x1] =	stream.indirect_vreg.gather [hbm4b:s2+s1], $0x80, v3, vm0, $0xb8;
	[tilespmem:$0x1E500] =	vst v63  }
0xa4: {  	s26 =	rddreg [dreg:$0xc]  }
0xa5: {  	[tilespmem:s26], [sflag:$0x1] =	stream.indirect_vreg.gather [hbm4b:s6+s1], $0x80, v3, vm1, $0xb8;
	[tilespmem:$0x1E500] =	vst v63  }
0xa6: {  	v3 =	vld [tilespmem:$0x320];
	_ =	sdelay $0x4  }
0xa7: {  	v47 =	vshrl.u32 v3, $0x3  }
0xa8: {  	v4 =	vmul.u32 $0x18, v47  }
0xa9: {  	v3 =	vand.u32 $0x7, v3  }
0xaa: {  	v3 =	vor.u32 v3, v4  }
0xab: {  	v4 =	vperm.xlane v3, v0;
	_ =	sdelay $0x1  }
0xac: {  	v4 =	vadd.s32 v1, v4;
	_ =	sdelay $0x1  }
0xad: {  	v3 =	vperm.xlane v3, v2;
	_ =	sdelay $0x1  }
0xae: {  	s28 =	rddreg [dreg:$0xd];
	v3 =	vadd.s32 v1, v3  }
0xaf: {  	[tilespmem:s28], [sflag:$0x1] =	stream.indirect_vreg.gather [hbm4b:s2+s1], $0x80, v4, vm0, $0xb8;
	[tilespmem:$0x1E500] =	vst v63  }
0xb0: {  	s29 =	rddreg [dreg:$0xe]  }
0xb1: {  	[tilespmem:s29], [sflag:$0x1] =	stream.indirect_vreg.gather [hbm4b:s6+s1], $0x80, v4, vm1, $0xb8;
	[tilespmem:$0x1E500] =	vst v63  }
0xb2: {  	s30 =	rddreg [dreg:$0xf]  }
0xb3: {  	[tilespmem:s30], [sflag:$0x1] =	stream.indirect_vreg.gather [hbm4b:s2+s1], $0x80, v3, vm0, $0xb8;
	[tilespmem:$0x1E500] =	vst v63  }
0xb4: {  	s31 =	rddreg [dreg:$0x10]  }
0xb5: {  	[tilespmem:s31], [sflag:$0x1] =	stream.indirect_vreg.gather [hbm4b:s6+s1], $0x80, v3, vm1, $0xb8;
	[tilespmem:$0x1E500] =	vst v63  }
0xb6: {  	v3 =	vld [tilespmem:$0x330];
	_ =	sdelay $0x4  }
0xb7: {  	v48 =	vshrl.u32 v3, $0x3  }
0xb8: {  	v4 =	vmul.u32 $0x18, v48  }
0xb9: {  	v3 =	vand.u32 $0x7, v3  }
0xba: {  	v3 =	vor.u32 v3, v4  }
0xbb: {  	v4 =	vperm.xlane v3, v0;
	_ =	sdelay $0x1  }
0xbc: {  	v4 =	vadd.s32 v1, v4;
	_ =	sdelay $0x1  }
0xbd: {  	v3 =	vperm.xlane v3, v2;
	_ =	sdelay $0x1  }
0xbe: {  	s25 =	rddreg [dreg:$0x11];
	v3 =	vadd.s32 v1, v3  }
0xbf: {  	[tilespmem:s25], [sflag:$0x1] =	stream.indirect_vreg.gather [hbm4b:s2+s1], $0x80, v4, vm0, $0xb8;
	[tilespmem:$0x1E500] =	vst v63  }
0xc0: {  	s26 =	rddreg [dreg:$0x12]  }
0xc1: {  	[tilespmem:s26], [sflag:$0x1] =	stream.indirect_vreg.gather [hbm4b:s6+s1], $0x80, v4, vm1, $0xb8;
	[tilespmem:$0x1E500] =	vst v63  }
0xc2: {  	s28 =	rddreg [dreg:$0x13]  }
0xc3: {  	[tilespmem:s28], [sflag:$0x1] =	stream.indirect_vreg.gather [hbm4b:s2+s1], $0x80, v3, vm0, $0xb8;
	[tilespmem:$0x1E500] =	vst v63  }
0xc4: {  	s29 =	rddreg [dreg:$0x14]  }
0xc5: {  	[tilespmem:s29], [sflag:$0x1] =	stream.indirect_vreg.gather [hbm4b:s6+s1], $0x80, v3, vm1, $0xb8;
	[tilespmem:$0x1E500] =	vst v63  }
0xc6: {  	v3 =	vld [tilespmem:$0x340];
	_ =	sdelay $0x4  }
0xc7: {  	v49 =	vshrl.u32 v3, $0x3  }
0xc8: {  	v4 =	vmul.u32 $0x18, v49  }
0xc9: {  	v3 =	vand.u32 $0x7, v3  }
0xca: {  	v3 =	vor.u32 v3, v4  }
0xcb: {  	v4 =	vperm.xlane v3, v0;
	_ =	sdelay $0x1  }
0xcc: {  	v4 =	vadd.s32 v1, v4;
	_ =	sdelay $0x1  }
0xcd: {  	v3 =	vperm.xlane v3, v2;
	_ =	sdelay $0x1  }
0xce: {  	s30 =	rddreg [dreg:$0x15];
	v3 =	vadd.s32 v1, v3  }
0xcf: {  	[tilespmem:s30], [sflag:$0x1] =	stream.indirect_vreg.gather [hbm4b:s2+s1], $0x80, v4, vm0, $0xb8;
	[tilespmem:$0x1E500] =	vst v63  }
0xd0: {  	s31 =	rddreg [dreg:$0x16]  }
0xd1: {  	[tilespmem:s31], [sflag:$0x1] =	stream.indirect_vreg.gather [hbm4b:s6+s1], $0x80, v4, vm1, $0xb8;
	[tilespmem:$0x1E500] =	vst v63  }
0xd2: {  	s26 =	rddreg [dreg:$0x17]  }
0xd3: {  	[tilespmem:s26], [sflag:$0x1] =	stream.indirect_vreg.gather [hbm4b:s2+s1], $0x80, v3, vm0, $0xb8;
	[tilespmem:$0x1E500] =	vst v63  }
0xd4: {  	s28 =	rddreg [dreg:$0x18]  }
0xd5: {  	[tilespmem:s28], [sflag:$0x1] =	stream.indirect_vreg.gather [hbm4b:s6+s1], $0x80, v3, vm1, $0xb8;
	[tilespmem:$0x1E500] =	vst v63  }
0xd6: {  	v3 =	vld [tilespmem:$0x380];
	_ =	sdelay $0x4  }
0xd7: {  	v50 =	vshrl.u32 v3, $0x3  }
0xd8: {  	v4 =	vmul.u32 $0x18, v50  }
0xd9: {  	v3 =	vand.u32 $0x7, v3  }
0xda: {  	v3 =	vor.u32 v3, v4  }
0xdb: {  	v4 =	vperm.xlane v3, v0;
	_ =	sdelay $0x1  }
0xdc: {  	v4 =	vadd.s32 v1, v4;
	_ =	sdelay $0x1  }
0xdd: {  	v3 =	vperm.xlane v3, v2;
	_ =	sdelay $0x1  }
0xde: {  	s29 =	rddreg [dreg:$0x19];
	v3 =	vadd.s32 v1, v3  }
0xdf: {  	[tilespmem:s29], [sflag:$0x1] =	stream.indirect_vreg.gather [hbm4b:s2+s1], $0x80, v4, vm0, $0xb8;
	[tilespmem:$0x1E500] =	vst v63  }
0xe0: {  	s30 =	rddreg [dreg:$0x1a]  }
0xe1: {  	[tilespmem:s30], [sflag:$0x1] =	stream.indirect_vreg.gather [hbm4b:s6+s1], $0x80, v4, vm1, $0xb8;
	[tilespmem:$0x1E500] =	vst v63  }
0xe2: {  	s31 =	rddreg [dreg:$0x1b]  }
0xe3: {  	[tilespmem:s31], [sflag:$0x1] =	stream.indirect_vreg.gather [hbm4b:s2+s1], $0x80, v3, vm0, $0xb8;
	[tilespmem:$0x1E500] =	vst v63  }
0xe4: {  	s26 =	rddreg [dreg:$0x1c]  }
0xe5: {  	[tilespmem:s26], [sflag:$0x1] =	stream.indirect_vreg.gather [hbm4b:s6+s1], $0x80, v3, vm1, $0xb8;
	[tilespmem:$0x1E500] =	vst v63  }
0xe6: {  	v3 =	vld [tilespmem:$0x390];
	_ =	sdelay $0x4  }
0xe7: {  	v51 =	vshrl.u32 v3, $0x3  }
0xe8: {  	v4 =	vmul.u32 $0x18, v51  }
0xe9: {  	v3 =	vand.u32 $0x7, v3  }
0xea: {  	v3 =	vor.u32 v3, v4  }
0xeb: {  	v4 =	vperm.xlane v3, v0;
	_ =	sdelay $0x1  }
0xec: {  	v4 =	vadd.s32 v1, v4;
	_ =	sdelay $0x1  }
0xed: {  	v3 =	vperm.xlane v3, v2  }
0xee: {  	s28 =	rddreg [dreg:$0x1d]  }
0xef: {  	s29 =	rddreg [dreg:$0x1e];
	v3 =	vadd.s32 v1, v3  }
0xf0: {  	[tilespmem:s28], [sflag:$0x1] =	stream.indirect_vreg.gather [hbm4b:s2+s1], $0x80, v4, vm0, $0xb8;
	[tilespmem:$0x1E500] =	vst v63  }
0xf1: {  	s30 =	rddreg [dreg:$0x1f]  }
0xf2: {  	[tilespmem:s29], [sflag:$0x1] =	stream.indirect_vreg.gather [hbm4b:s6+s1], $0x80, v4, vm1, $0xb8;
	[tilespmem:$0x1E500] =	vst v63  }
0xf3: {  	s31 =	sld [smem:$0x7D7]  }
0xf4: {  	[tilespmem:s30], [sflag:$0x1] =	stream.indirect_vreg.gather [hbm4b:s2+s1], $0x80, v3, vm0, $0xb8;
	[tilespmem:$0x1E500] =	vst v63  }
0xf5: {  	_ = 	snop  }
0xf6: {  	[tilespmem:s31], [sflag:$0x1] =	stream.indirect_vreg.gather [hbm4b:s6+s1], $0x80, v3, vm1, $0xb8;
	[tilespmem:$0x1E500] =	vst v63  }
0xf7: {  	v3 =	vld [tilespmem:$0x3A0];
	_ =	sdelay $0x4  }
0xf8: {  	v52 =	vshrl.u32 v3, $0x3  }
0xf9: {  	v4 =	vmul.u32 $0x18, v52  }
0xfa: {  	v3 =	vand.u32 $0x7, v3  }
0xfb: {  	v3 =	vor.u32 v3, v4  }
0xfc: {  	v4 =	vperm.xlane v3, v0;
	_ =	sdelay $0x1  }
0xfd: {  	v4 =	vadd.s32 v1, v4;
	_ =	sdelay $0x1  }
0xfe: {  	s25 =	sld [smem:$0x7D8];
	v3 =	vperm.xlane v3, v2;
	_ =	sdelay $0x1  }
0xff: {  	s26 =	sld [smem:$0x7D9];
	v3 =	vadd.s32 v1, v3  }
0x100: {  	[tilespmem:s25], [sflag:$0x1] =	stream.indirect_vreg.gather [hbm4b:s2+s1], $0x80, v4, vm0, $0xb8;
	[tilespmem:$0x1E500] =	vst v63  }
0x101: {  	s28 =	sld [smem:$0x7DA]  }
0x102: {  	[tilespmem:s26], [sflag:$0x1] =	stream.indirect_vreg.gather [hbm4b:s6+s1], $0x80, v4, vm1, $0xb8;
	[tilespmem:$0x1E500] =	vst v63  }
0x103: {  	s29 =	sld [smem:$0x7DB]  }
0x104: {  	[tilespmem:s28], [sflag:$0x1] =	stream.indirect_vreg.gather [hbm4b:s2+s1], $0x80, v3, vm0, $0xb8;
	[tilespmem:$0x1E500] =	vst v63  }
0x105: {  	_ = 	snop  }
0x106: {  	[tilespmem:s29], [sflag:$0x1] =	stream.indirect_vreg.gather [hbm4b:s6+s1], $0x80, v3, vm1, $0xb8;
	[tilespmem:$0x1E500] =	vst v63  }
0x107: {  	v3 =	vld [tilespmem:$0x3B0];
	_ =	sdelay $0x4  }
0x108: {  	v53 =	vshrl.u32 v3, $0x3  }
0x109: {  	v4 =	vmul.u32 $0x18, v53  }
0x10a: {  	v3 =	vand.u32 $0x7, v3  }
0x10b: {  	v3 =	vor.u32 v3, v4  }
0x10c: {  	v4 =	vperm.xlane v3, v0;
	_ =	sdelay $0x1  }
0x10d: {  	v4 =	vadd.s32 v1, v4;
	_ =	sdelay $0x1  }
0x10e: {  	s30 =	sld [smem:$0x7DC];
	v3 =	vperm.xlane v3, v2;
	_ =	sdelay $0x1  }
0x10f: {  	s31 =	sld [smem:$0x7DD];
	v3 =	vadd.s32 v1, v3  }
0x110: {  	[tilespmem:s30], [sflag:$0x1] =	stream.indirect_vreg.gather [hbm4b:s2+s1], $0x80, v4, vm0, $0xb8;
	[tilespmem:$0x1E500] =	vst v63  }
0x111: {  	s26 =	sld [smem:$0x7DE]  }
0x112: {  	[tilespmem:s31], [sflag:$0x1] =	stream.indirect_vreg.gather [hbm4b:s6+s1], $0x80, v4, vm1, $0xb8;
	[tilespmem:$0x1E500] =	vst v63  }
0x113: {  	s28 =	sld [smem:$0x7DF]  }
0x114: {  	[tilespmem:s26], [sflag:$0x1] =	stream.indirect_vreg.gather [hbm4b:s2+s1], $0x80, v3, vm0, $0xb8;
	[tilespmem:$0x1E500] =	vst v63  }
0x115: {  	_ = 	snop  }
0x116: {  	[tilespmem:s28], [sflag:$0x1] =	stream.indirect_vreg.gather [hbm4b:s6+s1], $0x80, v3, vm1, $0xb8;
	[tilespmem:$0x1E500] =	vst v63  }
0x117: {  	v3 =	vld [tilespmem:$0x3C0];
	_ =	sdelay $0x4  }
0x118: {  	v54 =	vshrl.u32 v3, $0x3  }
0x119: {  	v4 =	vmul.u32 $0x18, v54  }
0x11a: {  	v3 =	vand.u32 $0x7, v3  }
0x11b: {  	v3 =	vor.u32 v3, v4  }
0x11c: {  	v4 =	vperm.xlane v3, v0;
	_ =	sdelay $0x1  }
0x11d: {  	v4 =	vadd.s32 v1, v4;
	_ =	sdelay $0x1  }
0x11e: {  	s29 =	sld [smem:$0x7E0];
	v3 =	vperm.xlane v3, v2;
	_ =	sdelay $0x1  }
0x11f: {  	s30 =	sld [smem:$0x7E1];
	v3 =	vadd.s32 v1, v3  }
0x120: {  	[tilespmem:s29], [sflag:$0x1] =	stream.indirect_vreg.gather [hbm4b:s2+s1], $0x80, v4, vm0, $0xb8;
	[tilespmem:$0x1E500] =	vst v63  }
0x121: {  	s31 =	sld [smem:$0x7E2]  }
0x122: {  	[tilespmem:s30], [sflag:$0x1] =	stream.indirect_vreg.gather [hbm4b:s6+s1], $0x80, v4, vm1, $0xb8;
	[tilespmem:$0x1E500] =	vst v63  }
0x123: {  	s26 =	sld [smem:$0x7E3]  }
0x124: {  	[tilespmem:s31], [sflag:$0x1] =	stream.indirect_vreg.gather [hbm4b:s2+s1], $0x80, v3, vm0, $0xb8;
	[tilespmem:$0x1E500] =	vst v63  }
0x125: {  	_ = 	snop  }
0x126: {  	[tilespmem:s26], [sflag:$0x1] =	stream.indirect_vreg.gather [hbm4b:s6+s1], $0x80, v3, vm1, $0xb8;
	[tilespmem:$0x1E500] =	vst v63  }
0x127: {  	v3 =	vld [tilespmem:$0x400];
	_ =	sdelay $0x4  }
0x128: {  	v55 =	vshrl.u32 v3, $0x3  }
0x129: {  	v4 =	vmul.u32 $0x18, v55  }
0x12a: {  	v3 =	vand.u32 $0x7, v3  }
0x12b: {  	v3 =	vor.u32 v3, v4  }
0x12c: {  	v4 =	vperm.xlane v3, v0;
	_ =	sdelay $0x1  }
0x12d: {  	v4 =	vadd.s32 v1, v4;
	_ =	sdelay $0x1  }
0x12e: {  	s28 =	sld [smem:$0x7E4];
	v3 =	vperm.xlane v3, v2;
	_ =	sdelay $0x1  }
0x12f: {  	s29 =	sld [smem:$0x7E5];
	v3 =	vadd.s32 v1, v3  }
0x130: {  	[tilespmem:s28], [sflag:$0x1] =	stream.indirect_vreg.gather [hbm4b:s2+s1], $0x80, v4, vm0, $0xb8;
	[tilespmem:$0x1E500] =	vst v63  }
0x131: {  	s30 =	sld [smem:$0x7E6]  }
0x132: {  	[tilespmem:s29], [sflag:$0x1] =	stream.indirect_vreg.gather [hbm4b:s6+s1], $0x80, v4, vm1, $0xb8;
	[tilespmem:$0x1E500] =	vst v63  }
0x133: {  	s31 =	sld [smem:$0x7E7]  }
0x134: {  	[tilespmem:s30], [sflag:$0x1] =	stream.indirect_vreg.gather [hbm4b:s2+s1], $0x80, v3, vm0, $0xb8;
	[tilespmem:$0x1E500] =	vst v63  }
0x135: {  	_ = 	snop  }
0x136: {  	[tilespmem:s31], [sflag:$0x1] =	stream.indirect_vreg.gather [hbm4b:s6+s1], $0x80, v3, vm1, $0xb8;
	[tilespmem:$0x1E500] =	vst v63  }
0x137: {  	v3 =	vld [tilespmem:$0x410];
	_ =	sdelay $0x4  }
0x138: {  	v56 =	vshrl.u32 v3, $0x3  }
0x139: {  	v4 =	vmul.u32 $0x18, v56  }
0x13a: {  	v3 =	vand.u32 $0x7, v3  }
0x13b: {  	v3 =	vor.u32 v3, v4  }
0x13c: {  	v4 =	vperm.xlane v3, v0;
	_ =	sdelay $0x1  }
0x13d: {  	v4 =	vadd.s32 v1, v4;
	_ =	sdelay $0x1  }
0x13e: {  	s25 =	sld [smem:$0x7E8];
	v3 =	vperm.xlane v3, v2;
	_ =	sdelay $0x1  }
0x13f: {  	s26 =	sld [smem:$0x7E9];
	v3 =	vadd.s32 v1, v3  }
0x140: {  	[tilespmem:s25], [sflag:$0x1] =	stream.indirect_vreg.gather [hbm4b:s2+s1], $0x80, v4, vm0, $0xb8;
	[tilespmem:$0x1E500] =	vst v63  }
0x141: {  	s28 =	sld [smem:$0x7EA]  }
0x142: {  	[tilespmem:s26], [sflag:$0x1] =	stream.indirect_vreg.gather [hbm4b:s6+s1], $0x80, v4, vm1, $0xb8;
	[tilespmem:$0x1E500] =	vst v63  }
0x143: {  	s29 =	sld [smem:$0x7EB]  }
0x144: {  	[tilespmem:s28], [sflag:$0x1] =	stream.indirect_vreg.gather [hbm4b:s2+s1], $0x80, v3, vm0, $0xb8;
	[tilespmem:$0x1E500] =	vst v63  }
0x145: {  	_ = 	snop  }
0x146: {  	[tilespmem:s29], [sflag:$0x1] =	stream.indirect_vreg.gather [hbm4b:s6+s1], $0x80, v3, vm1, $0xb8;
	[tilespmem:$0x1E500] =	vst v63  }
0x147: {  	v3 =	vld [tilespmem:$0x420];
	_ =	sdelay $0x4  }
0x148: {  	v57 =	vshrl.u32 v3, $0x3  }
0x149: {  	v4 =	vmul.u32 $0x18, v57  }
0x14a: {  	v3 =	vand.u32 $0x7, v3  }
0x14b: {  	v3 =	vor.u32 v3, v4  }
0x14c: {  	v4 =	vperm.xlane v3, v0;
	_ =	sdelay $0x1  }
0x14d: {  	v4 =	vadd.s32 v1, v4;
	_ =	sdelay $0x1  }
0x14e: {  	s30 =	sld [smem:$0x7EC];
	v3 =	vperm.xlane v3, v2;
	_ =	sdelay $0x1  }
0x14f: {  	s31 =	sld [smem:$0x7ED];
	v3 =	vadd.s32 v1, v3  }
0x150: {  	[tilespmem:s30], [sflag:$0x1] =	stream.indirect_vreg.gather [hbm4b:s2+s1], $0x80, v4, vm0, $0xb8;
	[tilespmem:$0x1E500] =	vst v63  }
0x151: {  	s26 =	sld [smem:$0x7EE]  }
0x152: {  	[tilespmem:s31], [sflag:$0x1] =	stream.indirect_vreg.gather [hbm4b:s6+s1], $0x80, v4, vm1, $0xb8;
	[tilespmem:$0x1E500] =	vst v63  }
0x153: {  	s28 =	sld [smem:$0x7EF]  }
0x154: {  	[tilespmem:s26], [sflag:$0x1] =	stream.indirect_vreg.gather [hbm4b:s2+s1], $0x80, v3, vm0, $0xb8;
	[tilespmem:$0x1E500] =	vst v63  }
0x155: {  	_ = 	snop  }
0x156: {  	[tilespmem:s28], [sflag:$0x1] =	stream.indirect_vreg.gather [hbm4b:s6+s1], $0x80, v3, vm1, $0xb8;
	[tilespmem:$0x1E500] =	vst v63  }
0x157: {  	v3 =	vld [tilespmem:$0x430];
	_ =	sdelay $0x4  }
0x158: {  	v58 =	vshrl.u32 v3, $0x3  }
0x159: {  	v4 =	vmul.u32 $0x18, v58  }
0x15a: {  	v3 =	vand.u32 $0x7, v3  }
0x15b: {  	v3 =	vor.u32 v3, v4  }
0x15c: {  	v4 =	vperm.xlane v3, v0;
	_ =	sdelay $0x1  }
0x15d: {  	v4 =	vadd.s32 v1, v4;
	_ =	sdelay $0x1  }
0x15e: {  	s29 =	sld [smem:$0x7F0];
	v3 =	vperm.xlane v3, v2;
	_ =	sdelay $0x1  }
0x15f: {  	s30 =	sld [smem:$0x7F1];
	v3 =	vadd.s32 v1, v3  }
0x160: {  	[tilespmem:s29], [sflag:$0x1] =	stream.indirect_vreg.gather [hbm4b:s2+s1], $0x80, v4, vm0, $0xb8;
	[tilespmem:$0x1E500] =	vst v63  }
0x161: {  	s31 =	sld [smem:$0x7F2]  }
0x162: {  	[tilespmem:s30], [sflag:$0x1] =	stream.indirect_vreg.gather [hbm4b:s6+s1], $0x80, v4, vm1, $0xb8;
	[tilespmem:$0x1E500] =	vst v63  }
0x163: {  	s26 =	sld [smem:$0x7F3]  }
0x164: {  	[tilespmem:s31], [sflag:$0x1] =	stream.indirect_vreg.gather [hbm4b:s2+s1], $0x80, v3, vm0, $0xb8;
	[tilespmem:$0x1E500] =	vst v63  }
0x165: {  	_ = 	snop  }
0x166: {  	[tilespmem:s26], [sflag:$0x1] =	stream.indirect_vreg.gather [hbm4b:s6+s1], $0x80, v3, vm1, $0xb8;
	[tilespmem:$0x1E500] =	vst v63  }
0x167: {  	v3 =	vld [tilespmem:$0x440];
	_ =	sdelay $0x4  }
0x168: {  	v59 =	vshrl.u32 v3, $0x3  }
0x169: {  	v4 =	vmul.u32 $0x18, v59  }
0x16a: {  	v3 =	vand.u32 $0x7, v3  }
0x16b: {  	v3 =	vor.u32 v3, v4  }
0x16c: {  	v4 =	vperm.xlane v3, v0;
	_ =	sdelay $0x1  }
0x16d: {  	v4 =	vadd.s32 v1, v4;
	_ =	sdelay $0x1  }
0x16e: {  	s28 =	sld [smem:$0x7F4];
	v3 =	vperm.xlane v3, v2;
	_ =	sdelay $0x1  }
0x16f: {  	s29 =	sld [smem:$0x7F5];
	v3 =	vadd.s32 v1, v3  }
0x170: {  	[tilespmem:s28], [sflag:$0x1] =	stream.indirect_vreg.gather [hbm4b:s2+s1], $0x80, v4, vm0, $0xb8;
	[tilespmem:$0x1E500] =	vst v63  }
0x171: {  	s30 =	sld [smem:$0x7F6]  }
0x172: {  	[tilespmem:s29], [sflag:$0x1] =	stream.indirect_vreg.gather [hbm4b:s6+s1], $0x80, v4, vm1, $0xb8;
	[tilespmem:$0x1E500] =	vst v63  }
0x173: {  	s31 =	sld [smem:$0x7F7]  }
0x174: {  	[tilespmem:s30], [sflag:$0x1] =	stream.indirect_vreg.gather [hbm4b:s2+s1], $0x80, v3, vm0, $0xb8;
	[tilespmem:$0x1E500] =	vst v63  }
0x175: {  	_ = 	snop  }
0x176: {  	[tilespmem:s31], [sflag:$0x1] =	stream.indirect_vreg.gather [hbm4b:s6+s1], $0x80, v3, vm1, $0xb8;
	[tilespmem:$0x1E500] =	vst v63  }
0x177: {  	_ =	swait.ge [sflag:s9], $0x7800  }
0x178: {  	[sflag:s9] =	ssyncset.done $0x0  }
0x179: {  	[sflag:s9] =	ssyncadd.s32 $0xFFFF8800  }
0x17a: {  	_ =	swait.ge [sflag:s9], $0x7800  }
0x17b: {  	[sflag:s9] =	ssyncset.done $0x0  }
0x17c: {  	[sflag:s9] =	ssyncadd.s32 $0xFFFF8800  }
0x17d: {  	_ =	swait.ge [sflag:s9], $0x7800  }
0x17e: {  	[sflag:s9] =	ssyncset.done $0x0  }
0x17f: {  	[sflag:s9] =	ssyncadd.s32 $0xFFFF8800  }
0x180: {  	v3 =	vld [tilespmem:$0x480];
	_ =	sdelay $0x4  }
0x181: {  	v60 =	vshrl.u32 v3, $0x3  }
0x182: {  	v4 =	vmul.u32 $0x18, v60  }
0x183: {  	v3 =	vand.u32 $0x7, v3  }
0x184: {  	v3 =	vor.u32 v3, v4  }
0x185: {  	v4 =	vperm.xlane v3, v0;
	_ =	sdelay $0x1  }
0x186: {  	v4 =	vadd.s32 v1, v4;
	_ =	sdelay $0x1  }
0x187: {  	s25 =	sld [smem:$0x7F8];
	v3 =	vperm.xlane v3, v2;
	_ =	sdelay $0x1  }
0x188: {  	s26 =	sld [smem:$0x7F9];
	v3 =	vadd.s32 v1, v3  }
0x189: {  	[tilespmem:s25], [sflag:$0x1] =	stream.indirect_vreg.gather [hbm4b:s2+s1], $0x80, v4, vm0, $0xb8;
	[tilespmem:$0x1E500] =	vst v63  }
0x18a: {  	s28 =	sld [smem:$0x7FA]  }
0x18b: {  	[tilespmem:s26], [sflag:$0x1] =	stream.indirect_vreg.gather [hbm4b:s6+s1], $0x80, v4, vm1, $0xb8;
	[tilespmem:$0x1E500] =	vst v63  }
0x18c: {  	s29 =	sld [smem:$0x7FB]  }
0x18d: {  	[tilespmem:s28], [sflag:$0x1] =	stream.indirect_vreg.gather [hbm4b:s2+s1], $0x80, v3, vm0, $0xb8;
	[tilespmem:$0x1E500] =	vst v63  }
0x18e: {  	_ = 	snop  }
0x18f: {  	[tilespmem:s29], [sflag:$0x1] =	stream.indirect_vreg.gather [hbm4b:s6+s1], $0x80, v3, vm1, $0xb8;
	[tilespmem:$0x1E500] =	vst v63  }
0x190: {  	v3 =	vld [tilespmem:$0x490];
	_ =	sdelay $0x4  }
0x191: {  	v61 =	vshrl.u32 v3, $0x3  }
0x192: {  	v4 =	vmul.u32 $0x18, v61  }
0x193: {  	v3 =	vand.u32 $0x7, v3  }
0x194: {  	v3 =	vor.u32 v3, v4  }
0x195: {  	v4 =	vperm.xlane v3, v0;
	_ =	sdelay $0x1  }
0x196: {  	v4 =	vadd.s32 v1, v4;
	_ =	sdelay $0x1  }
0x197: {  	s30 =	sld [smem:$0x7FC];
	v3 =	vperm.xlane v3, v2;
	_ =	sdelay $0x1  }
0x198: {  	s31 =	sld [smem:$0x7FD];
	v3 =	vadd.s32 v1, v3  }
0x199: {  	[tilespmem:s30], [sflag:$0x1] =	stream.indirect_vreg.gather [hbm4b:s2+s1], $0x80, v4, vm0, $0xb8;
	[tilespmem:$0x1E500] =	vst v63  }
0x19a: {  	_ = 	snop  }
0x19b: {  	[tilespmem:s31], [sflag:$0x1] =	stream.indirect_vreg.gather [hbm4b:s6+s1], $0x80, v4, vm1, $0xb8;
	[tilespmem:$0x1E500] =	vst v63  }
0x19c: {  	_ = 	snop  }
0x19d: {  	[tilespmem:s10], [sflag:$0x1] =	stream.indirect_vreg.gather [hbm4b:s2+s1], $0x80, v3, vm0, $0xb8;
	[tilespmem:$0x1E500] =	vst v63  }
0x19e: {  	_ = 	snop  }
0x19f: {  	[tilespmem:s11], [sflag:$0x1] =	stream.indirect_vreg.gather [hbm4b:s6+s1], $0x80, v3, vm1, $0xb8;
	[tilespmem:$0x1E500] =	vst v63  }
0x1a0: {  	v3 =	vld [tilespmem:$0x4A0];
	_ =	sdelay $0x4  }
0x1a1: {  	v62 =	vshrl.u32 v3, $0x3  }
0x1a2: {  	v4 =	vmul.u32 $0x18, v62  }
0x1a3: {  	v3 =	vand.u32 $0x7, v3  }
0x1a4: {  	v3 =	vor.u32 v3, v4  }
0x1a5: {  	v4 =	vperm.xlane v3, v0;
	_ =	sdelay $0x1  }
0x1a6: {  	v4 =	vadd.s32 v1, v4;
	_ =	sdelay $0x1  }
0x1a7: {  	v3 =	vperm.xlane v3, v2;
	_ =	sdelay $0x1  }
0x1a8: {  	v3 =	vadd.s32 v1, v3  }
0x1a9: {  	[tilespmem:s12], [sflag:$0x1] =	stream.indirect_vreg.gather [hbm4b:s2+s1], $0x80, v4, vm0, $0xb8;
	[tilespmem:$0x1E500] =	vst v63  }
0x1aa: {  	_ = 	snop  }
0x1ab: {  	[tilespmem:s13], [sflag:$0x1] =	stream.indirect_vreg.gather [hbm4b:s6+s1], $0x80, v4, vm1, $0xb8;
	[tilespmem:$0x1E500] =	vst v63  }
0x1ac: {  	_ = 	snop  }
0x1ad: {  	[tilespmem:s14], [sflag:$0x1] =	stream.indirect_vreg.gather [hbm4b:s2+s1], $0x80, v3, vm0, $0xb8;
	[tilespmem:$0x1E500] =	vst v63  }
0x1ae: {  	_ = 	snop  }
0x1af: {  	[tilespmem:s15], [sflag:$0x1] =	stream.indirect_vreg.gather [hbm4b:s6+s1], $0x80, v3, vm1, $0xb8;
	[tilespmem:$0x1E500] =	vst v63  }
0x1b0: {  	v3 =	vld [tilespmem:$0x4B0];
	_ =	sdelay $0x4  }
0x1b1: {  	v63 =	vshrl.u32 v3, $0x3  }
0x1b2: {  	v4 =	vmul.u32 $0x18, v63  }
0x1b3: {  	v3 =	vand.u32 $0x7, v3  }
0x1b4: {  	v3 =	vor.u32 v3, v4  }
0x1b5: {  	v4 =	vperm.xlane v3, v0;
	_ =	sdelay $0x1  }
0x1b6: {  	v4 =	vadd.s32 v1, v4;
	_ =	sdelay $0x1  }
0x1b7: {  	v3 =	vperm.xlane v3, v2;
	_ =	sdelay $0x1  }
0x1b8: {  	v3 =	vadd.s32 v1, v3  }
0x1b9: {  	[tilespmem:s16], [sflag:$0x1] =	stream.indirect_vreg.gather [hbm4b:s2+s1], $0x80, v4, vm0, $0xb8;
	[tilespmem:$0x1E500] =	vst v63  }
0x1ba: {  	_ = 	snop  }
0x1bb: {  	[tilespmem:s17], [sflag:$0x1] =	stream.indirect_vreg.gather [hbm4b:s6+s1], $0x80, v4, vm1, $0xb8;
	[tilespmem:$0x1E500] =	vst v63  }
0x1bc: {  	_ = 	snop  }
0x1bd: {  	[tilespmem:s18], [sflag:$0x1] =	stream.indirect_vreg.gather [hbm4b:s2+s1], $0x80, v3, vm0, $0xb8;
	[tilespmem:$0x1E500] =	vst v63  }
0x1be: {  	s24 =	simm.s32 @p0 $0x1  }
0x1bf: {  	[tilespmem:s19], [sflag:$0x1] =	stream.indirect_vreg.gather [hbm4b:s6+s1], $0x80, v3, vm1, $0xb8;
	[tilespmem:$0x1E500] =	vst v63  }
0x1c0: {  	_ =	swait.ge @p0 [sflag:s24], $0x6000  }
0x1c1: {  	[sflag:s24] =	ssyncset.done @p0 $0x0  }
0x1c2: {  	[sflag:s24] =	ssyncadd.s32 @p0 $0xFFFFA000;
	s24 =	simm.s32 @p0 $0x500  }
0x1c3: {  	[hbm4b:s7+s23] =	stream.linear.scatter @p0 [tilespmem:s24], [sflag:$0x2], $0x1C800, $0x38;
	[tilespmem:$0x1E500] =	vst v63  }
0x1c4: {  	_ =	swait.ge @p0 [sflag:s22], $0x1C800  }
0x1c5: {  	[sflag:s22] =	ssyncset.done @p0 $0x0  }
0x1c6: {  	[sflag:s22] =	ssyncadd.s32 @p0 $0xFFFE3800  }
0x1c7: {  	v3 =	vld @!p0 [tilespmem:$0x4C0];
	_ =	sdelay $0x4  }
0x1c8: {  	v4 =	vshrl.u32 @!p0 v3, $0x3  }
0x1c9: {  	v4 =	vmul.u32 @!p0 $0x18, v4  }
0x1ca: {  	v5 =	vlaneseq.u32 @!p0;
	v3 =	vand.u32 @!p0 $0x7, v3  }
0x1cb: {  	v6 =	vshrl.u32 @!p0 v5, $0x3;
	v3 =	vor.u32 @!p0 v3, v4;
	v4 =	vand.u32 @!p0 $0x7, v5  }
0x1cc: {  	v6 =	vmul.u32 @!p0 $0x8, v6;
	v4 =	vperm.xlane @!p0 v3, v4;
	_ =	sdelay $0x1  }
0x1cd: {  	v4 =	vadd.s32 @!p0 v6, v4  }
0x1ce: {  	v5 =	vor.u32 @!p0 $0x8, v5  }
0x1cf: {  	v3 =	vperm.xlane @!p0 v3, v5;
	_ =	sdelay $0x1  }
0x1d0: {  	s22 =	simm.s32 @!p0 $0x1CD00;
	v3 =	vadd.s32 @!p0 v6, v3  }
0x1d1: {  	[tilespmem:s22], [sflag:$0x1] =	stream.indirect_vreg.gather @!p0 [hbm4b:s2+s21], $0x80, v4, vm2, $0xb8;
	[tilespmem:$0x1E500] =	vst v63  }
0x1d2: {  	s22 =	simm.s32 @!p0 $0x1D500  }
0x1d3: {  	[tilespmem:s22], [sflag:$0x1] =	stream.indirect_vreg.gather @!p0 [hbm4b:s6+s21], $0x80, v4, vm3, $0xb8;
	[tilespmem:$0x1E500] =	vst v63  }
0x1d4: {  	s22 =	simm.s32 @!p0 $0x1D900  }
0x1d5: {  	[tilespmem:s22], [sflag:$0x1] =	stream.indirect_vreg.gather @!p0 [hbm4b:s2+s21], $0x80, v3, vm2, $0xb8;
	[tilespmem:$0x1E500] =	vst v63  }
0x1d6: {  	s22 =	simm.s32 @!p0 $0x1E100  }
0x1d7: {  	[tilespmem:s22], [sflag:$0x1] =	stream.indirect_vreg.gather @!p0 [hbm4b:s6+s21], $0x80, v3, vm3, $0xb8;
	[tilespmem:$0x1E500] =	vst v63  }
0x1d8: {  	s22 =	simm.s32 @!p0 $0x1  }
0x1d9: {  	s8 =	sadd.s32 $0xFFFFFFFF, s8;
	_ =	swait.ge @!p0 [sflag:s22], $0x7800  }
0x1da: {  	p1 =	sne.s32 s8, $0x0;
	[sflag:s22] =	ssyncset.done @!p0 $0x0  }
.Ltmp0:
0x1db: {  	[sflag:s22] =	ssyncadd.s32 @!p0 $0xFFFF8800;
	s22 =	simm.s32 @!p0 $0x500;
	(pc) =	sbr.rel @p1 .LBB2_1-.Ltmp0, $4  }
0x1dc: {  	[hbm4b:s7+s21] =	stream.linear.scatter @!p0 [tilespmem:s22], [sflag:$0x2], $0x1E000, $0x38;
	[tilespmem:$0x1E500] =	vst v63  }
0x1dd: {  	_ =	swait.ge @!p0 [sflag:s20], $0x1E000  }
0x1de: {  	[sflag:s20] =	ssyncset.done @!p0 $0x0  }
0x1df: {  	[sflag:s20] =	ssyncadd.s32 @!p0 $0xFFFE2000  }
0x1e0: {  	_ =	sfence.sel $0x180000  }
0x1e1: {  	[bflag:$0x0] =	sbarrier.arrive $0xFFFF  }
0x1e2: {  	p0 =	sne.s32 s3, $0x0;
	_ =	strace $0x90000047  }
0x1e3: {  	s0 =	sadd.s32 @!p0 $0x100000, s0;
	[bflag:$0x2] =	sbarrier.arrive $0xFFFF  }
0x1e4: {  	[sflag:s0] =	ssyncadd.tile.s32 @!p0 $0x1;
	_ =	shalt  }
.Lfunc_end2:
_tile_overlayer_lowered:
.L_overlay_start_2:
0x1e5: {  	(tag) =	ssettag $0x2  }
0x1e6: {  	s0 =	rddreg [dreg:$0x0];
	s2 =	stileid.u32  }
0x1e7: {  	s1 =	rddreg [dreg:$0x1];
	p0 =	sne.s32 s2, $0x0  }
0x1e8: {  	s3 =	rddreg [dreg:$0x2];
	[bflag:$0x3] =	sbarrier.arrive $0xFFFF;
	s2 =	simm.s32 @!p0 $0x1C02  }
0x1e9: {  	[timem:s3], [sflag:s2] =	dma.local @!p0 [hbm:s0], s1  }
0x1ea: {  	s0 =	simm.s32 @!p0 $0x2  }
0x1eb: {  	_ =	swait.ge @!p0 [sflag:s0], s1  }
0x1ec: {  	s1 =	ssub.s32 @!p0 $0x0, s1;
	[sflag:s0] =	ssyncset.done @!p0 $0x0  }
0x1ed: {  	[sflag:s0] =	ssyncadd.s32 @!p0 s1  }
0x1ee: {  	[bflag:$0x3] =	sbarrier.arrive $0xFFFF  }
0x1ef: {  	_ =	shalt  }

</sc_bundles>
